<compile_context>
chip_gen: v7x
topology: tpu7x:2x2x1
jax: 0.10.2.dev20260603
libtpu: 0.0.44.dev20260713+nightly
codegen_flags: <defaults>
</compile_context>

<pallas_src>
import functools

import jax
import jax.numpy as jnp
from jax import lax
from jax.experimental import pallas as pl
from jax.experimental.pallas import tpu as pltpu
from jax.experimental.pallas import tpu_sc as plsc

N = 10000
NC = 2
NS = 16
NW = NC * NS
CH = 128
K = 80
K2 = 2 * K
EP = NW * K * CH
RB = 632
NPAD = NS * RB
RBLK = 2000


def _edge_kernel_l1():
  mesh = plsc.VectorSubcoreMesh(
      core_axis_name="c", subcore_axis_name="s", num_cores=NC, num_subcores=NS)
  out_type = [jax.ShapeDtypeStruct((NC, NPAD, 32), jnp.float32),
              jax.ShapeDtypeStruct((NC, NPAD, 8), jnp.float32)]
  scratch = [
      pltpu.VMEM((K2, CH), jnp.int32),
      pltpu.VMEM((K2, CH), jnp.int32),
      pltpu.VMEM((CH, 32), jnp.float32),
      pltpu.VMEM((CH, 32), jnp.float32),
      pltpu.VMEM((CH, 32), jnp.float32),
      pltpu.VMEM((CH, 32), jnp.float32),
      pltpu.VMEM((CH, 8), jnp.float32),
      pltpu.VMEM_SHARED((NPAD, 32), jnp.float32),
      pltpu.VMEM_SHARED((NPAD, 32), jnp.float32),
      pltpu.VMEM_SHARED((NPAD, 8), jnp.float32),
      pltpu.SemaphoreType.DMA,
      pltpu.SemaphoreType.DMA,
      pltpu.SemaphoreType.DMA,
      pltpu.SemaphoreType.DMA,
  ]

  def body(tab_a, tab_b, srcp, dstp, z32, z1, ones_h,
           out_agg, out_cnt,
           src_v, dst_v, rows0, rows1, rows2, rows3, ones_v,
           agg_sh, tab_sh, cnt_sh, sem0, sem1, sem2, sem3):
    c = lax.axis_index("c")
    s = lax.axis_index("s")
    r0 = s * RB
    pltpu.sync_copy(z32.at[pl.ds(r0, RB), :], agg_sh.at[pl.ds(r0, RB), :])
    pltpu.sync_copy(z1.at[pl.ds(r0, RB), :], cnt_sh.at[pl.ds(r0, RB), :])
    pltpu.sync_copy(ones_h, ones_v)

    @pl.when(c == 0)
    def _():
      pltpu.sync_copy(tab_a.at[pl.ds(r0, RB), :], tab_sh.at[pl.ds(r0, RB), :])

    @pl.when(c == 1)
    def _():
      pltpu.sync_copy(tab_b.at[pl.ds(r0, RB), :], tab_sh.at[pl.ds(r0, RB), :])

    plsc.subcore_barrier()

    base = s * K2
    pltpu.sync_copy(srcp.at[pl.ds(base, K2), :], src_v)
    pltpu.sync_copy(dstp.at[pl.ds(base, K2), :], dst_v)

    bufs = (rows0, rows1, rows2, rows3)
    sems = (sem0, sem1, sem2, sem3)
    for b in range(3):
      pltpu.async_copy(tab_sh.at[src_v.at[b]], bufs[b], sems[b])

    def quad(t, carry):
      for b in range(4):
        jj = 4 * t + b
        pltpu.make_async_copy(tab_sh.at[src_v.at[jj]], bufs[b], sems[b]).wait()

        @pl.when(jj + 3 < K2)
        def _():
          bn = (b + 3) % 4
          pltpu.async_copy(tab_sh.at[src_v.at[jj + 3]], bufs[bn], sems[bn])

        pltpu.sync_copy(bufs[b], agg_sh.at[dst_v.at[jj]], add=True)
        do_cnt = lax.select(c == 0, jj < K, jj >= K)

        @pl.when(do_cnt)
        def _():
          pltpu.sync_copy(ones_v, cnt_sh.at[dst_v.at[jj]], add=True)
      return carry

    lax.fori_loop(0, K2 // 4, quad, 0)
    plsc.subcore_barrier()
    pltpu.sync_copy(agg_sh.at[pl.ds(r0, RB), :],
                    out_agg.at[c].at[pl.ds(r0, RB), :])
    pltpu.sync_copy(cnt_sh.at[pl.ds(r0, RB), :],
                    out_cnt.at[c].at[pl.ds(r0, RB), :])

  return pl.kernel(body, out_type=out_type, mesh=mesh, scratch_types=scratch,
                   compiler_params=pltpu.CompilerParams(
                       use_tc_tiling_on_sc=False))


def _edge_kernel_l2(Dm):
  mesh = plsc.VectorSubcoreMesh(
      core_axis_name="c", subcore_axis_name="s", num_cores=NC, num_subcores=NS)
  out_type = jax.ShapeDtypeStruct((NC, NPAD, Dm), jnp.float32)
  scratch = [
      pltpu.VMEM((K, CH), jnp.int32),
      pltpu.VMEM((K, CH), jnp.int32),
      pltpu.VMEM((CH, Dm), jnp.float32),
      pltpu.VMEM((CH, Dm), jnp.float32),
      pltpu.VMEM((CH, Dm), jnp.float32),
      pltpu.VMEM((CH, Dm), jnp.float32),
      pltpu.VMEM_SHARED((NPAD, Dm), jnp.float32),
      pltpu.VMEM_SHARED((NPAD, Dm), jnp.float32),
      pltpu.SemaphoreType.DMA,
      pltpu.SemaphoreType.DMA,
      pltpu.SemaphoreType.DMA,
      pltpu.SemaphoreType.DMA,
  ]

  def body(tab, srcp, dstp, z2, out_agg,
           src_v, dst_v, rows0, rows1, rows2, rows3, agg_sh, tab_sh,
           sem0, sem1, sem2, sem3):
    c = lax.axis_index("c")
    s = lax.axis_index("s")
    wid = c * NS + s
    r0 = s * RB
    pltpu.sync_copy(z2.at[pl.ds(r0, RB), :], agg_sh.at[pl.ds(r0, RB), :])
    pltpu.sync_copy(tab.at[pl.ds(r0, RB), :], tab_sh.at[pl.ds(r0, RB), :])
    plsc.subcore_barrier()

    base = wid * K
    pltpu.sync_copy(srcp.at[pl.ds(base, K), :], src_v)
    pltpu.sync_copy(dstp.at[pl.ds(base, K), :], dst_v)

    bufs = (rows0, rows1, rows2, rows3)
    sems = (sem0, sem1, sem2, sem3)
    for b in range(3):
      pltpu.async_copy(tab_sh.at[src_v.at[b]], bufs[b], sems[b])

    def quad(t, carry):
      for b in range(4):
        jj = 4 * t + b
        pltpu.make_async_copy(tab_sh.at[src_v.at[jj]], bufs[b], sems[b]).wait()

        @pl.when(jj + 3 < K)
        def _():
          bn = (b + 3) % 4
          pltpu.async_copy(tab_sh.at[src_v.at[jj + 3]], bufs[bn], sems[bn])

        pltpu.sync_copy(bufs[b], agg_sh.at[dst_v.at[jj]], add=True)
      return carry

    lax.fori_loop(0, K // 4, quad, 0)
    plsc.subcore_barrier()
    pltpu.sync_copy(agg_sh.at[pl.ds(r0, RB), :],
                    out_agg.at[c].at[pl.ds(r0, RB), :])

  return pl.kernel(body, out_type=out_type, mesh=mesh, scratch_types=scratch,
                   compiler_params=pltpu.CompilerParams(
                       use_tc_tiling_on_sc=False))


def _tc1_body(x, W1a, W1b, b1a, b1b, out_a, out_b):
  out_a[...] = jnp.maximum(
      jnp.dot(x[...], W1a[...], preferred_element_type=jnp.float32) + b1a[...],
      0.0)
  out_b[...] = jnp.maximum(
      jnp.dot(x[...], W1b[...], preferred_element_type=jnp.float32) + b1b[...],
      0.0)


def _tc2_body(agg_a, agg_b, cnt0, cnt1, x, W2a, W2b, Wr, b2, W1n, b1n,
              h1, p2, inv):
  iv = 1.0 / jnp.maximum(cnt0[0, :, 0:1] + cnt1[0, :, 0:1], 1.0)
  h = jnp.maximum(
      jnp.dot(agg_a[0] * iv, W2a[...], preferred_element_type=jnp.float32)
      + jnp.dot(agg_b[0] * iv, W2b[...], preferred_element_type=jnp.float32)
      + jnp.dot(x[...], Wr[...], preferred_element_type=jnp.float32)
      + b2[...], 0.0)
  h1[...] = h
  p2[...] = jnp.maximum(
      jnp.dot(h, W1n[...], preferred_element_type=jnp.float32) + b1n[...], 0.0)
  inv[...] = iv


def _tc3_body(agg0, agg1, inv, h1, W2, Wr, b2, lW, lb, y):
  mean = (agg0[0] + agg1[0]) * inv[...]
  h = jnp.maximum(
      jnp.dot(mean, W2[...], preferred_element_type=jnp.float32)
      + jnp.dot(h1[...], Wr[...], preferred_element_type=jnp.float32)
      + b2[...], 0.0)
  y[...] = jnp.dot(h, lW[...], preferred_element_type=jnp.float32) + lb[...]


def _row_spec(d):
  return pl.BlockSpec((RBLK, d), lambda i: (i, 0))


def _full_spec(a, b):
  return pl.BlockSpec((a, b), lambda i: (0, 0))


@jax.jit
def kernel(x, edge_index, c1_W1, c1_b1, c1_W2, c1_b2, c1_Wr,
           c2_W1, c2_b1, c2_W2, c2_b2, c2_Wr, lin_W, lin_b):
  E = edge_index.shape[1]
  pad = EP - E
  src = jnp.concatenate([edge_index[0], jnp.zeros((pad,), jnp.int32)])
  dst = jnp.concatenate([edge_index[1], jnp.full((pad,), N, jnp.int32)])
  srcp = src.reshape(NW * K, CH)
  dstp = dst.reshape(NW * K, CH)
  z32 = jnp.zeros((NPAD, 32), jnp.float32)
  z1 = jnp.zeros((NPAD, 8), jnp.float32)
  ones1 = jnp.ones((CH, 8), jnp.float32)

  grid = N // RBLK

  tab_a, tab_b = pl.pallas_call(
      _tc1_body,
      grid=(8,),
      in_specs=[pl.BlockSpec((NPAD // 8, 128), lambda i: (i, 0)),
                _full_spec(128, 32), _full_spec(128, 32),
                _full_spec(1, 32), _full_spec(1, 32)],
      out_specs=[pl.BlockSpec((NPAD // 8, 32), lambda i: (i, 0))] * 2,
      out_shape=[jax.ShapeDtypeStruct((NPAD, 32), jnp.float32)] * 2,
  )(x, c1_W1[:, :32], c1_W1[:, 32:], c1_b1[:32].reshape(1, 32),
    c1_b1[32:].reshape(1, 32))

  agg1p, cntp = _edge_kernel_l1()(tab_a, tab_b, srcp, dstp, z32, z1, ones1)

  def _sc_spec(d, c):
    return pl.BlockSpec((1, RBLK, d), lambda i, c=c: (c, i, 0))

  h1, p2, inv = pl.pallas_call(
      _tc2_body,
      grid=(grid,),
      in_specs=[_sc_spec(32, 0), _sc_spec(32, 1), _sc_spec(8, 0),
                _sc_spec(8, 1),
                _row_spec(128), _full_spec(32, 64), _full_spec(32, 64),
                _full_spec(128, 64), _full_spec(1, 64),
                _full_spec(64, 32), _full_spec(1, 32)],
      out_specs=[_row_spec(64), _row_spec(32), _row_spec(1)],
      out_shape=[jax.ShapeDtypeStruct((N, 64), jnp.float32),
                 jax.ShapeDtypeStruct((NPAD, 32), jnp.float32),
                 jax.ShapeDtypeStruct((N, 1), jnp.float32)],
  )(agg1p, agg1p, cntp, cntp, x, c1_W2[:32, :], c1_W2[32:, :], c1_Wr,
    c1_b2.reshape(1, 64), c2_W1, c2_b1.reshape(1, 32))

  agg2p = _edge_kernel_l2(32)(p2, srcp, dstp, z32)

  y = pl.pallas_call(
      _tc3_body,
      grid=(grid,),
      in_specs=[_sc_spec(32, 0), _sc_spec(32, 1), _row_spec(1), _row_spec(64),
                _full_spec(32, 32), _full_spec(64, 32), _full_spec(1, 32),
                _full_spec(32, 1), _full_spec(1, 1)],
      out_specs=_row_spec(1),
      out_shape=jax.ShapeDtypeStruct((N, 1), jnp.float32),
  )(agg2p, agg2p, inv, h1, c2_W2, c2_Wr, c2_b2.reshape(1, 32),
    lin_W, lin_b.reshape(1, 1))

  return y

# --- scband reference (transcript-rebuilt; emitter-appended) ---
"""Pipeline reference for scband-fae-exp-graph-conv-5231270167341 (READ-ONLY COPY).

The authoritative reference and input builder live on the scoring server;
editing this copy changes nothing except your own understanding.
"""

import jax, jax.numpy as jnp
import numpy as np

N = 10000
E = 320000
D = 128


def _init_lin(key, fan_in, fan_out):
    kw, kb = jax.random.split(key)
    W = jax.random.normal(kw, (fan_in, fan_out), dtype=jnp.float32) * (1.0 / np.sqrt(fan_in))
    b = jnp.zeros((fan_out,), dtype=jnp.float32)
    return W, b


def setup_inputs(seed: int = 0) -> dict:
    key = jax.random.key(seed)
    ks = jax.random.split(key, 10)
    x = jax.random.normal(ks[0], (N, D), dtype=jnp.float32)
    edge_index = jax.random.randint(ks[1], (2, E), 0, N, dtype=jnp.int32)
    # conv1: ExpGraphConv(in=128, mid=64, out=64)
    c1_W1, c1_b1 = _init_lin(ks[2], D, 64)      # message MLP: in -> mid
    c1_W2, c1_b2 = _init_lin(ks[3], 64, 64)     # aggregated -> out
    c1_Wr, _ = _init_lin(ks[4], D, 64)          # root/self weight: in -> out
    # conv2: ExpGraphConv(in=64, mid=32, out=32)
    c2_W1, c2_b1 = _init_lin(ks[5], 64, 32)
    c2_W2, c2_b2 = _init_lin(ks[6], 32, 32)
    c2_Wr, _ = _init_lin(ks[7], 64, 32)
    # final lin: 32 -> 1
    lin_W, lin_b = _init_lin(ks[8], 32, 1)
    return {
        "x": x, "edge_index": edge_index,
        "c1_W1": c1_W1, "c1_b1": c1_b1, "c1_W2": c1_W2, "c1_b2": c1_b2, "c1_Wr": c1_Wr,
        "c2_W1": c2_W1, "c2_b1": c2_b1, "c2_W2": c2_W2, "c2_b2": c2_b2, "c2_Wr": c2_Wr,
        "lin_W": lin_W, "lin_b": lin_b,
    }


def _exp_graph_conv(x, edge_index, W1, b1, Wr, W2, b2):
    # message: relu(Lin(in, mid)(x_j)); aggr='mean' by dst; update: Lin(mid,out)(agg) + Lin(in,out)(x_i)
    src = edge_index[0]
    dst = edge_index[1]
    n = x.shape[0]
    m = jax.nn.relu(x[src] @ W1 + b1)
    agg = jax.ops.segment_sum(m, dst, num_segments=n)
    cnt = jax.ops.segment_sum(jnp.ones((m.shape[0], 1), dtype=m.dtype), dst, num_segments=n)
    mean = agg / jnp.maximum(cnt, 1.0)
    return mean @ W2 + x @ Wr + b2


def reference(x, edge_index,
              c1_W1, c1_b1, c1_W2, c1_b2, c1_Wr,
              c2_W1, c2_b1, c2_W2, c2_b2, c2_Wr,
              lin_W, lin_b):
    # opts.problem == 'Prediction' branch
    h = jax.nn.relu(_exp_graph_conv(x, edge_index, c1_W1, c1_b1, c1_Wr, c1_W2, c1_b2))
    h = jax.nn.relu(_exp_graph_conv(h, edge_index, c2_W1, c2_b1, c2_Wr, c2_W2, c2_b2))
    return h @ lin_W + lin_b

if __name__ == "__main__":
    import jax
    _d = setup_inputs()
    print(jax.jit(kernel)(*tuple(_d.values())))

</pallas_src>

<mosaic_0001>
#map = affine_map<(d0, d1) -> (0, 0)>
#map1 = affine_map<(d0, d1) -> (0, 0, 0)>
module attributes {stable_mosaic.version = 14 : i64} {
  func.func @body(%arg0: i32, %arg1: i32, %arg2: memref<10112x32xf32, #tpu.memory_space<hbm>>, %arg3: memref<10112x32xf32, #tpu.memory_space<hbm>>, %arg4: memref<2560x128xi32, #tpu.memory_space<hbm>>, %arg5: memref<2560x128xi32, #tpu.memory_space<hbm>>, %arg6: memref<10112x32xf32, #tpu.memory_space<hbm>>, %arg7: memref<10112x8xf32, #tpu.memory_space<hbm>>, %arg8: memref<128x8xf32, #tpu.memory_space<hbm>>, %arg9: memref<2x10112x32xf32, #tpu.memory_space<hbm>>, %arg10: memref<2x10112x8xf32, #tpu.memory_space<hbm>>, %arg11: memref<160x128xi32, #tpu.memory_space<vmem>>, %arg12: memref<160x128xi32, #tpu.memory_space<vmem>>, %arg13: memref<128x32xf32, #tpu.memory_space<vmem>>, %arg14: memref<128x32xf32, #tpu.memory_space<vmem>>, %arg15: memref<128x32xf32, #tpu.memory_space<vmem>>, %arg16: memref<128x32xf32, #tpu.memory_space<vmem>>, %arg17: memref<128x8xf32, #tpu.memory_space<vmem>>, %arg18: memref<10112x32xf32, #tpu.memory_space<vmem_shared>>, %arg19: memref<10112x32xf32, #tpu.memory_space<vmem_shared>>, %arg20: memref<10112x8xf32, #tpu.memory_space<vmem_shared>>, %arg21: memref<!tpu.dma_semaphore, #tpu.memory_space<semaphore_mem>>, %arg22: memref<!tpu.dma_semaphore, #tpu.memory_space<semaphore_mem>>, %arg23: memref<!tpu.dma_semaphore, #tpu.memory_space<semaphore_mem>>, %arg24: memref<!tpu.dma_semaphore, #tpu.memory_space<semaphore_mem>>) attributes {dimension_semantics = [#tpu.dimension_semantics<core_parallel>, #tpu.dimension_semantics<subcore_parallel>], iteration_bounds = array<i64: 2, 16>, scalar_prefetch = 0 : i64, scratch_operands = 14 : i64, tpu.core_type = #tpu.core_type<sc_vector_subcore>, window_params = [{transform_indices = #map}, {transform_indices = #map}, {transform_indices = #map}, {transform_indices = #map}, {transform_indices = #map}, {transform_indices = #map}, {transform_indices = #map}, {transform_indices = #map1}, {transform_indices = #map1}]} {
    %mul3A = arith.constant 632 : i32
    %mul3A_0 = arith.muli %arg1, %mul3A : i32
    "tpu.region"() ({
      %run_scoped3A = tpu.sem_alloc : memref<!tpu.dma_semaphore, #tpu.memory_space<semaphore_mem>>
      %dma_start3A_36 = arith.constant 0 : i32
      %dma_start3A_37 = tpu.memref_slice %arg18[%mul3A_0, %dma_start3A_36] : memref<10112x32xf32, #tpu.memory_space<vmem_shared>> -> memref<632x32xf32, #tpu.memory_space<vmem_shared>>
      %dma_start3A_38 = arith.constant 0 : i32
      %dma_start3A_39 = tpu.memref_slice %arg6[%mul3A_0, %dma_start3A_38] : memref<10112x32xf32, #tpu.memory_space<hbm>> -> memref<632x32xf32, #tpu.memory_space<hbm>>
      tpu.enqueue_dma source(%dma_start3A_39 : memref<632x32xf32, #tpu.memory_space<hbm>>) target(%dma_start3A_37 : memref<632x32xf32, #tpu.memory_space<vmem_shared>>) target_semaphore(%run_scoped3A : memref<!tpu.dma_semaphore, #tpu.memory_space<semaphore_mem>>)
      %dma_wait3A = arith.constant 0 : i32
      %dma_wait3A_40 = tpu.memref_slice %arg18[%mul3A_0, %dma_wait3A] : memref<10112x32xf32, #tpu.memory_space<vmem_shared>> -> memref<632x32xf32, #tpu.memory_space<vmem_shared>>
      %dma_wait3A_41 = arith.constant 0 : i32
      %dma_wait3A_42 = tpu.memref_slice %arg6[%mul3A_0, %dma_wait3A_41] : memref<10112x32xf32, #tpu.memory_space<hbm>> -> memref<632x32xf32, #tpu.memory_space<hbm>>
      tpu.wait_dma2 semaphore(%run_scoped3A : memref<!tpu.dma_semaphore, #tpu.memory_space<semaphore_mem>>) src(%dma_wait3A_42 : memref<632x32xf32, #tpu.memory_space<hbm>>) dst(%dma_wait3A_40 : memref<632x32xf32, #tpu.memory_space<vmem_shared>>)
      tpu.yield
    }) : () -> ()
    "tpu.region"() ({
      %run_scoped3A = tpu.sem_alloc : memref<!tpu.dma_semaphore, #tpu.memory_space<semaphore_mem>>
      %dma_start3A_36 = arith.constant 0 : i32
      %dma_start3A_37 = tpu.memref_slice %arg20[%mul3A_0, %dma_start3A_36] : memref<10112x8xf32, #tpu.memory_space<vmem_shared>> -> memref<632x8xf32, #tpu.memory_space<vmem_shared>>
      %dma_start3A_38 = arith.constant 0 : i32
      %dma_start3A_39 = tpu.memref_slice %arg7[%mul3A_0, %dma_start3A_38] : memref<10112x8xf32, #tpu.memory_space<hbm>> -> memref<632x8xf32, #tpu.memory_space<hbm>>
      tpu.enqueue_dma source(%dma_start3A_39 : memref<632x8xf32, #tpu.memory_space<hbm>>) target(%dma_start3A_37 : memref<632x8xf32, #tpu.memory_space<vmem_shared>>) target_semaphore(%run_scoped3A : memref<!tpu.dma_semaphore, #tpu.memory_space<semaphore_mem>>)
      %dma_wait3A = arith.constant 0 : i32
      %dma_wait3A_40 = tpu.memref_slice %arg20[%mul3A_0, %dma_wait3A] : memref<10112x8xf32, #tpu.memory_space<vmem_shared>> -> memref<632x8xf32, #tpu.memory_space<vmem_shared>>
      %dma_wait3A_41 = arith.constant 0 : i32
      %dma_wait3A_42 = tpu.memref_slice %arg7[%mul3A_0, %dma_wait3A_41] : memref<10112x8xf32, #tpu.memory_space<hbm>> -> memref<632x8xf32, #tpu.memory_space<hbm>>
      tpu.wait_dma2 semaphore(%run_scoped3A : memref<!tpu.dma_semaphore, #tpu.memory_space<semaphore_mem>>) src(%dma_wait3A_42 : memref<632x8xf32, #tpu.memory_space<hbm>>) dst(%dma_wait3A_40 : memref<632x8xf32, #tpu.memory_space<vmem_shared>>)
      tpu.yield
    }) : () -> ()
    "tpu.region"() ({
      %run_scoped3A = tpu.sem_alloc : memref<!tpu.dma_semaphore, #tpu.memory_space<semaphore_mem>>
      tpu.enqueue_dma source(%arg8 : memref<128x8xf32, #tpu.memory_space<hbm>>) target(%arg17 : memref<128x8xf32, #tpu.memory_space<vmem>>) target_semaphore(%run_scoped3A : memref<!tpu.dma_semaphore, #tpu.memory_space<semaphore_mem>>)
      tpu.wait_dma2 semaphore(%run_scoped3A : memref<!tpu.dma_semaphore, #tpu.memory_space<semaphore_mem>>) src(%arg8 : memref<128x8xf32, #tpu.memory_space<hbm>>) dst(%arg17 : memref<128x8xf32, #tpu.memory_space<vmem>>)
      tpu.yield
    }) : () -> ()
    %eq3A = arith.constant 0 : i32
    %eq3A_1 = arith.cmpi eq, %arg0, %eq3A : i32
    %convert_element_type3A = arith.extui %eq3A_1 : i1 to i32
    %cond3A = arith.constant 0 : i32
    %cond3A_2 = arith.cmpi ne, %convert_element_type3A, %cond3A : i32
    scf.if %cond3A_2 {
      "tpu.region"() ({
        %run_scoped3A = tpu.sem_alloc : memref<!tpu.dma_semaphore, #tpu.memory_space<semaphore_mem>>
        %dma_start3A_36 = arith.constant 0 : i32
        %dma_start3A_37 = tpu.memref_slice %arg19[%mul3A_0, %dma_start3A_36] : memref<10112x32xf32, #tpu.memory_space<vmem_shared>> -> memref<632x32xf32, #tpu.memory_space<vmem_shared>>
        %dma_start3A_38 = arith.constant 0 : i32
        %dma_start3A_39 = tpu.memref_slice %arg2[%mul3A_0, %dma_start3A_38] : memref<10112x32xf32, #tpu.memory_space<hbm>> -> memref<632x32xf32, #tpu.memory_space<hbm>>
        tpu.enqueue_dma source(%dma_start3A_39 : memref<632x32xf32, #tpu.memory_space<hbm>>) target(%dma_start3A_37 : memref<632x32xf32, #tpu.memory_space<vmem_shared>>) target_semaphore(%run_scoped3A : memref<!tpu.dma_semaphore, #tpu.memory_space<semaphore_mem>>)
        %dma_wait3A = arith.constant 0 : i32
        %dma_wait3A_40 = tpu.memref_slice %arg19[%mul3A_0, %dma_wait3A] : memref<10112x32xf32, #tpu.memory_space<vmem_shared>> -> memref<632x32xf32, #tpu.memory_space<vmem_shared>>
        %dma_wait3A_41 = arith.constant 0 : i32
        %dma_wait3A_42 = tpu.memref_slice %arg2[%mul3A_0, %dma_wait3A_41] : memref<10112x32xf32, #tpu.memory_space<hbm>> -> memref<632x32xf32, #tpu.memory_space<hbm>>
        tpu.wait_dma2 semaphore(%run_scoped3A : memref<!tpu.dma_semaphore, #tpu.memory_space<semaphore_mem>>) src(%dma_wait3A_42 : memref<632x32xf32, #tpu.memory_space<hbm>>) dst(%dma_wait3A_40 : memref<632x32xf32, #tpu.memory_space<vmem_shared>>)
        tpu.yield
      }) : () -> ()
    } else {
    }
    %eq3A_3 = arith.constant 1 : i32
    %eq3A_4 = arith.cmpi eq, %arg0, %eq3A_3 : i32
    %convert_element_type3A_5 = arith.extui %eq3A_4 : i1 to i32
    %cond3A_6 = arith.constant 0 : i32
    %cond3A_7 = arith.cmpi ne, %convert_element_type3A_5, %cond3A_6 : i32
    scf.if %cond3A_7 {
      "tpu.region"() ({
        %run_scoped3A = tpu.sem_alloc : memref<!tpu.dma_semaphore, #tpu.memory_space<semaphore_mem>>
        %dma_start3A_36 = arith.constant 0 : i32
        %dma_start3A_37 = tpu.memref_slice %arg19[%mul3A_0, %dma_start3A_36] : memref<10112x32xf32, #tpu.memory_space<vmem_shared>> -> memref<632x32xf32, #tpu.memory_space<vmem_shared>>
        %dma_start3A_38 = arith.constant 0 : i32
        %dma_start3A_39 = tpu.memref_slice %arg3[%mul3A_0, %dma_start3A_38] : memref<10112x32xf32, #tpu.memory_space<hbm>> -> memref<632x32xf32, #tpu.memory_space<hbm>>
        tpu.enqueue_dma source(%dma_start3A_39 : memref<632x32xf32, #tpu.memory_space<hbm>>) target(%dma_start3A_37 : memref<632x32xf32, #tpu.memory_space<vmem_shared>>) target_semaphore(%run_scoped3A : memref<!tpu.dma_semaphore, #tpu.memory_space<semaphore_mem>>)
        %dma_wait3A = arith.constant 0 : i32
        %dma_wait3A_40 = tpu.memref_slice %arg19[%mul3A_0, %dma_wait3A] : memref<10112x32xf32, #tpu.memory_space<vmem_shared>> -> memref<632x32xf32, #tpu.memory_space<vmem_shared>>
        %dma_wait3A_41 = arith.constant 0 : i32
        %dma_wait3A_42 = tpu.memref_slice %arg3[%mul3A_0, %dma_wait3A_41] : memref<10112x32xf32, #tpu.memory_space<hbm>> -> memref<632x32xf32, #tpu.memory_space<hbm>>
        tpu.wait_dma2 semaphore(%run_scoped3A : memref<!tpu.dma_semaphore, #tpu.memory_space<semaphore_mem>>) src(%dma_wait3A_42 : memref<632x32xf32, #tpu.memory_space<hbm>>) dst(%dma_wait3A_40 : memref<632x32xf32, #tpu.memory_space<vmem_shared>>)
        tpu.yield
      }) : () -> ()
    } else {
    }
    %barrier3A = arith.constant 0 : index
    tpu.barrier barrier_id(%barrier3A)
    %mul3A_8 = arith.constant 160 : i32
    %mul3A_9 = arith.muli %arg1, %mul3A_8 : i32
    "tpu.region"() ({
      %run_scoped3A = tpu.sem_alloc : memref<!tpu.dma_semaphore, #tpu.memory_space<semaphore_mem>>
      %dma_start3A_36 = arith.constant 0 : i32
      %dma_start3A_37 = tpu.memref_slice %arg4[%mul3A_9, %dma_start3A_36] : memref<2560x128xi32, #tpu.memory_space<hbm>> -> memref<160x128xi32, #tpu.memory_space<hbm>>
      %dma_start3A_38 = arith.constant 0 : i32
      %dma_start3A_39 = tpu.memref_slice %arg4[%mul3A_9, %dma_start3A_38] : memref<2560x128xi32, #tpu.memory_space<hbm>> -> memref<160x128xi32, #tpu.memory_space<hbm>>
      tpu.enqueue_dma source(%dma_start3A_39 : memref<160x128xi32, #tpu.memory_space<hbm>>) target(%arg11 : memref<160x128xi32, #tpu.memory_space<vmem>>) target_semaphore(%run_scoped3A : memref<!tpu.dma_semaphore, #tpu.memory_space<semaphore_mem>>)
      %dma_wait3A = arith.constant 0 : i32
      %dma_wait3A_40 = tpu.memref_slice %arg4[%mul3A_9, %dma_wait3A] : memref<2560x128xi32, #tpu.memory_space<hbm>> -> memref<160x128xi32, #tpu.memory_space<hbm>>
      %dma_wait3A_41 = arith.constant 0 : i32
      %dma_wait3A_42 = tpu.memref_slice %arg4[%mul3A_9, %dma_wait3A_41] : memref<2560x128xi32, #tpu.memory_space<hbm>> -> memref<160x128xi32, #tpu.memory_space<hbm>>
      tpu.wait_dma2 semaphore(%run_scoped3A : memref<!tpu.dma_semaphore, #tpu.memory_space<semaphore_mem>>) src(%dma_wait3A_42 : memref<160x128xi32, #tpu.memory_space<hbm>>) dst(%arg11 : memref<160x128xi32, #tpu.memory_space<vmem>>)
      tpu.yield
    }) : () -> ()
    "tpu.region"() ({
      %run_scoped3A = tpu.sem_alloc : memref<!tpu.dma_semaphore, #tpu.memory_space<semaphore_mem>>
      %dma_start3A_36 = arith.constant 0 : i32
      %dma_start3A_37 = tpu.memref_slice %arg5[%mul3A_9, %dma_start3A_36] : memref<2560x128xi32, #tpu.memory_space<hbm>> -> memref<160x128xi32, #tpu.memory_space<hbm>>
      %dma_start3A_38 = arith.constant 0 : i32
      %dma_start3A_39 = tpu.memref_slice %arg5[%mul3A_9, %dma_start3A_38] : memref<2560x128xi32, #tpu.memory_space<hbm>> -> memref<160x128xi32, #tpu.memory_space<hbm>>
      tpu.enqueue_dma source(%dma_start3A_39 : memref<160x128xi32, #tpu.memory_space<hbm>>) target(%arg12 : memref<160x128xi32, #tpu.memory_space<vmem>>) target_semaphore(%run_scoped3A : memref<!tpu.dma_semaphore, #tpu.memory_space<semaphore_mem>>)
      %dma_wait3A = arith.constant 0 : i32
      %dma_wait3A_40 = tpu.memref_slice %arg5[%mul3A_9, %dma_wait3A] : memref<2560x128xi32, #tpu.memory_space<hbm>> -> memref<160x128xi32, #tpu.memory_space<hbm>>
      %dma_wait3A_41 = arith.constant 0 : i32
      %dma_wait3A_42 = tpu.memref_slice %arg5[%mul3A_9, %dma_wait3A_41] : memref<2560x128xi32, #tpu.memory_space<hbm>> -> memref<160x128xi32, #tpu.memory_space<hbm>>
      tpu.wait_dma2 semaphore(%run_scoped3A : memref<!tpu.dma_semaphore, #tpu.memory_space<semaphore_mem>>) src(%dma_wait3A_42 : memref<160x128xi32, #tpu.memory_space<hbm>>) dst(%arg12 : memref<160x128xi32, #tpu.memory_space<vmem>>)
      tpu.yield
    }) : () -> ()
    %dma_start3A = arith.constant 0 : i32
    %dma_start3A_10 = arith.constant 0 : i32
    %dma_start3A_11 = tpu.memref_slice %arg11[%dma_start3A, %dma_start3A_10] : memref<160x128xi32, #tpu.memory_space<vmem>> -> memref<1x128xi32, #tpu.memory_space<vmem>>
    %dma_start3A_12 = tpu.memref_squeeze %dma_start3A_11 : memref<1x128xi32, #tpu.memory_space<vmem>> -> memref<128xi32, #tpu.memory_space<vmem>>
    %dma_start3A_13 = arith.constant 0 : i32
    %dma_start3A_14 = arith.constant 0 : i32
    %dma_start3A_15 = tpu.memref_slice %arg19[%dma_start3A_13, %dma_start3A_14] : memref<10112x32xf32, #tpu.memory_space<vmem_shared>> -> memref<10112x32xf32, #tpu.memory_space<vmem_shared>>
    tpu.enqueue_indirect_dma source(%dma_start3A_15 : memref<10112x32xf32, #tpu.memory_space<vmem_shared>>) target(%arg13 : memref<128x32xf32, #tpu.memory_space<vmem>>) offsets(%dma_start3A_12 : memref<128xi32, #tpu.memory_space<vmem>>) semaphore(%arg21 : memref<!tpu.dma_semaphore, #tpu.memory_space<semaphore_mem>>)
    %dma_start3A_16 = arith.constant 1 : i32
    %dma_start3A_17 = arith.constant 0 : i32
    %dma_start3A_18 = tpu.memref_slice %arg11[%dma_start3A_16, %dma_start3A_17] : memref<160x128xi32, #tpu.memory_space<vmem>> -> memref<1x128xi32, #tpu.memory_space<vmem>>
    %dma_start3A_19 = tpu.memref_squeeze %dma_start3A_18 : memref<1x128xi32, #tpu.memory_space<vmem>> -> memref<128xi32, #tpu.memory_space<vmem>>
    %dma_start3A_20 = arith.constant 0 : i32
    %dma_start3A_21 = arith.constant 0 : i32
    %dma_start3A_22 = tpu.memref_slice %arg19[%dma_start3A_20, %dma_start3A_21] : memref<10112x32xf32, #tpu.memory_space<vmem_shared>> -> memref<10112x32xf32, #tpu.memory_space<vmem_shared>>
    tpu.enqueue_indirect_dma source(%dma_start3A_22 : memref<10112x32xf32, #tpu.memory_space<vmem_shared>>) target(%arg14 : memref<128x32xf32, #tpu.memory_space<vmem>>) offsets(%dma_start3A_19 : memref<128xi32, #tpu.memory_space<vmem>>) semaphore(%arg22 : memref<!tpu.dma_semaphore, #tpu.memory_space<semaphore_mem>>)
    %dma_start3A_23 = arith.constant 2 : i32
    %dma_start3A_24 = arith.constant 0 : i32
    %dma_start3A_25 = tpu.memref_slice %arg11[%dma_start3A_23, %dma_start3A_24] : memref<160x128xi32, #tpu.memory_space<vmem>> -> memref<1x128xi32, #tpu.memory_space<vmem>>
    %dma_start3A_26 = tpu.memref_squeeze %dma_start3A_25 : memref<1x128xi32, #tpu.memory_space<vmem>> -> memref<128xi32, #tpu.memory_space<vmem>>
    %dma_start3A_27 = arith.constant 0 : i32
    %dma_start3A_28 = arith.constant 0 : i32
    %dma_start3A_29 = tpu.memref_slice %arg19[%dma_start3A_27, %dma_start3A_28] : memref<10112x32xf32, #tpu.memory_space<vmem_shared>> -> memref<10112x32xf32, #tpu.memory_space<vmem_shared>>
    tpu.enqueue_indirect_dma source(%dma_start3A_29 : memref<10112x32xf32, #tpu.memory_space<vmem_shared>>) target(%arg15 : memref<128x32xf32, #tpu.memory_space<vmem>>) offsets(%dma_start3A_26 : memref<128xi32, #tpu.memory_space<vmem>>) semaphore(%arg23 : memref<!tpu.dma_semaphore, #tpu.memory_space<semaphore_mem>>)
    %scan3A = arith.constant 0 : i32
    %scan3A_30 = arith.constant 0 : i32
    %scan3A_31 = arith.constant 40 : i32
    %scan3A_32 = arith.addi %scan3A_30, %scan3A_31 : i32
    %scan3A_33 = arith.constant 1 : i32
    scf.for %scan3A_36 = %scan3A_30 to %scan3A_32 step %scan3A_33  : i32 {
      %mul3A_37 = arith.constant 4 : i32
      %mul3A_38 = arith.muli %mul3A_37, %scan3A_36 : i32
      %add3A = arith.constant 0 : i32
      %add3A_39 = arith.addi %mul3A_38, %add3A : i32
      %dma_wait3A = arith.constant 0 : i32
      %dma_wait3A_40 = tpu.memref_slice %arg11[%add3A_39, %dma_wait3A] : memref<160x128xi32, #tpu.memory_space<vmem>> -> memref<1x128xi32, #tpu.memory_space<vmem>>
      %dma_wait3A_41 = tpu.memref_squeeze %dma_wait3A_40 : memref<1x128xi32, #tpu.memory_space<vmem>> -> memref<128xi32, #tpu.memory_space<vmem>>
      %dma_wait3A_42 = arith.constant 0 : i32
      %dma_wait3A_43 = arith.constant 0 : i32
      %dma_wait3A_44 = tpu.memref_slice %arg19[%dma_wait3A_42, %dma_wait3A_43] : memref<10112x32xf32, #tpu.memory_space<vmem_shared>> -> memref<10112x32xf32, #tpu.memory_space<vmem_shared>>
      tpu.wait_indirect_dma semaphore(%arg21 : memref<!tpu.dma_semaphore, #tpu.memory_space<semaphore_mem>>) src(%dma_wait3A_44 : memref<10112x32xf32, #tpu.memory_space<vmem_shared>>) dst(%arg13 : memref<128x32xf32, #tpu.memory_space<vmem>>)
      %add3A_45 = arith.constant 3 : i32
      %add3A_46 = arith.addi %add3A_39, %add3A_45 : i32
      %lt3A = arith.constant 160 : i32
      %lt3A_47 = arith.cmpi slt, %add3A_46, %lt3A : i32
      %convert_element_type3A_48 = arith.extui %lt3A_47 : i1 to i32
      %cond3A_49 = arith.constant 0 : i32
      %cond3A_50 = arith.cmpi ne, %convert_element_type3A_48, %cond3A_49 : i32
      scf.if %cond3A_50 {
        %add3A_140 = arith.constant 3 : i32
        %add3A_141 = arith.addi %add3A_39, %add3A_140 : i32
        %dma_start3A_142 = arith.constant 0 : i32
        %dma_start3A_143 = tpu.memref_slice %arg11[%add3A_141, %dma_start3A_142] : memref<160x128xi32, #tpu.memory_space<vmem>> -> memref<1x128xi32, #tpu.memory_space<vmem>>
        %dma_start3A_144 = tpu.memref_squeeze %dma_start3A_143 : memref<1x128xi32, #tpu.memory_space<vmem>> -> memref<128xi32, #tpu.memory_space<vmem>>
        %dma_start3A_145 = arith.constant 0 : i32
        %dma_start3A_146 = arith.constant 0 : i32
        %dma_start3A_147 = tpu.memref_slice %arg19[%dma_start3A_145, %dma_start3A_146] : memref<10112x32xf32, #tpu.memory_space<vmem_shared>> -> memref<10112x32xf32, #tpu.memory_space<vmem_shared>>
        tpu.enqueue_indirect_dma source(%dma_start3A_147 : memref<10112x32xf32, #tpu.memory_space<vmem_shared>>) target(%arg16 : memref<128x32xf32, #tpu.memory_space<vmem>>) offsets(%dma_start3A_144 : memref<128xi32, #tpu.memory_space<vmem>>) semaphore(%arg24 : memref<!tpu.dma_semaphore, #tpu.memory_space<semaphore_mem>>)
      } else {
      }
      "tpu.region"() ({
        %run_scoped3A = tpu.sem_alloc : memref<!tpu.dma_semaphore, #tpu.memory_space<semaphore_mem>>
        %dma_start3A_140 = arith.constant 0 : i32
        %dma_start3A_141 = tpu.memref_slice %arg12[%add3A_39, %dma_start3A_140] : memref<160x128xi32, #tpu.memory_space<vmem>> -> memref<1x128xi32, #tpu.memory_space<vmem>>
        %dma_start3A_142 = tpu.memref_squeeze %dma_start3A_141 : memref<1x128xi32, #tpu.memory_space<vmem>> -> memref<128xi32, #tpu.memory_space<vmem>>
        %dma_start3A_143 = arith.constant 0 : i32
        %dma_start3A_144 = arith.constant 0 : i32
        %dma_start3A_145 = tpu.memref_slice %arg18[%dma_start3A_143, %dma_start3A_144] : memref<10112x32xf32, #tpu.memory_space<vmem_shared>> -> memref<10112x32xf32, #tpu.memory_space<vmem_shared>>
        tpu.enqueue_indirect_dma source(%arg13 : memref<128x32xf32, #tpu.memory_space<vmem>>) target(%dma_start3A_145 : memref<10112x32xf32, #tpu.memory_space<vmem_shared>>) offsets(%dma_start3A_142 : memref<128xi32, #tpu.memory_space<vmem>>) semaphore(%run_scoped3A : memref<!tpu.dma_semaphore, #tpu.memory_space<semaphore_mem>>) {add = true}
        %dma_wait3A_146 = arith.constant 0 : i32
        %dma_wait3A_147 = tpu.memref_slice %arg12[%add3A_39, %dma_wait3A_146] : memref<160x128xi32, #tpu.memory_space<vmem>> -> memref<1x128xi32, #tpu.memory_space<vmem>>
        %dma_wait3A_148 = tpu.memref_squeeze %dma_wait3A_147 : memref<1x128xi32, #tpu.memory_space<vmem>> -> memref<128xi32, #tpu.memory_space<vmem>>
        %dma_wait3A_149 = arith.constant 0 : i32
        %dma_wait3A_150 = arith.constant 0 : i32
        %dma_wait3A_151 = tpu.memref_slice %arg18[%dma_wait3A_149, %dma_wait3A_150] : memref<10112x32xf32, #tpu.memory_space<vmem_shared>> -> memref<10112x32xf32, #tpu.memory_space<vmem_shared>>
        tpu.wait_indirect_dma semaphore(%run_scoped3A : memref<!tpu.dma_semaphore, #tpu.memory_space<semaphore_mem>>) src(%arg13 : memref<128x32xf32, #tpu.memory_space<vmem>>) dst(%dma_wait3A_151 : memref<10112x32xf32, #tpu.memory_space<vmem_shared>>)
        tpu.yield
      }) : () -> ()
      %eq3A_51 = arith.constant 0 : i32
      %eq3A_52 = arith.cmpi eq, %arg0, %eq3A_51 : i32
      %lt3A_53 = arith.constant 80 : i32
      %lt3A_54 = arith.cmpi slt, %add3A_39, %lt3A_53 : i32
      %ge3A = arith.constant 80 : i32
      %ge3A_55 = arith.cmpi sge, %add3A_39, %ge3A : i32
      %select_n3A = arith.select %eq3A_52, %lt3A_54, %ge3A_55 : i1
      %convert_element_type3A_56 = arith.extui %select_n3A : i1 to i32
      %cond3A_57 = arith.constant 0 : i32
      %cond3A_58 = arith.cmpi ne, %convert_element_type3A_56, %cond3A_57 : i32
      scf.if %cond3A_58 {
        "tpu.region"() ({
          %run_scoped3A = tpu.sem_alloc : memref<!tpu.dma_semaphore, #tpu.memory_space<semaphore_mem>>
          %dma_start3A_140 = arith.constant 0 : i32
          %dma_start3A_141 = tpu.memref_slice %arg12[%add3A_39, %dma_start3A_140] : memref<160x128xi32, #tpu.memory_space<vmem>> -> memref<1x128xi32, #tpu.memory_space<vmem>>
          %dma_start3A_142 = tpu.memref_squeeze %dma_start3A_141 : memref<1x128xi32, #tpu.memory_space<vmem>> -> memref<128xi32, #tpu.memory_space<vmem>>
          %dma_start3A_143 = arith.constant 0 : i32
          %dma_start3A_144 = arith.constant 0 : i32
          %dma_start3A_145 = tpu.memref_slice %arg20[%dma_start3A_143, %dma_start3A_144] : memref<10112x8xf32, #tpu.memory_space<vmem_shared>> -> memref<10112x8xf32, #tpu.memory_space<vmem_shared>>
          tpu.enqueue_indirect_dma source(%arg17 : memref<128x8xf32, #tpu.memory_space<vmem>>) target(%dma_start3A_145 : memref<10112x8xf32, #tpu.memory_space<vmem_shared>>) offsets(%dma_start3A_142 : memref<128xi32, #tpu.memory_space<vmem>>) semaphore(%run_scoped3A : memref<!tpu.dma_semaphore, #tpu.memory_space<semaphore_mem>>) {add = true}
          %dma_wait3A_146 = arith.constant 0 : i32
          %dma_wait3A_147 = tpu.memref_slice %arg12[%add3A_39, %dma_wait3A_146] : memref<160x128xi32, #tpu.memory_space<vmem>> -> memref<1x128xi32, #tpu.memory_space<vmem>>
          %dma_wait3A_148 = tpu.memref_squeeze %dma_wait3A_147 : memref<1x128xi32, #tpu.memory_space<vmem>> -> memref<128xi32, #tpu.memory_space<vmem>>
          %dma_wait3A_149 = arith.constant 0 : i32
          %dma_wait3A_150 = arith.constant 0 : i32
          %dma_wait3A_151 = tpu.memref_slice %arg20[%dma_wait3A_149, %dma_wait3A_150] : memref<10112x8xf32, #tpu.memory_space<vmem_shared>> -> memref<10112x8xf32, #tpu.memory_space<vmem_shared>>
          tpu.wait_indirect_dma semaphore(%run_scoped3A : memref<!tpu.dma_semaphore, #tpu.memory_space<semaphore_mem>>) src(%arg17 : memref<128x8xf32, #tpu.memory_space<vmem>>) dst(%dma_wait3A_151 : memref<10112x8xf32, #tpu.memory_space<vmem_shared>>)
          tpu.yield
        }) : () -> ()
      } else {
      }
      %mul3A_59 = arith.constant 4 : i32
      %mul3A_60 = arith.muli %mul3A_59, %scan3A_36 : i32
      %add3A_61 = arith.constant 1 : i32
      %add3A_62 = arith.addi %mul3A_60, %add3A_61 : i32
      %dma_wait3A_63 = arith.constant 0 : i32
      %dma_wait3A_64 = tpu.memref_slice %arg11[%add3A_62, %dma_wait3A_63] : memref<160x128xi32, #tpu.memory_space<vmem>> -> memref<1x128xi32, #tpu.memory_space<vmem>>
      %dma_wait3A_65 = tpu.memref_squeeze %dma_wait3A_64 : memref<1x128xi32, #tpu.memory_space<vmem>> -> memref<128xi32, #tpu.memory_space<vmem>>
      %dma_wait3A_66 = arith.constant 0 : i32
      %dma_wait3A_67 = arith.constant 0 : i32
      %dma_wait3A_68 = tpu.memref_slice %arg19[%dma_wait3A_66, %dma_wait3A_67] : memref<10112x32xf32, #tpu.memory_space<vmem_shared>> -> memref<10112x32xf32, #tpu.memory_space<vmem_shared>>
      tpu.wait_indirect_dma semaphore(%arg22 : memref<!tpu.dma_semaphore, #tpu.memory_space<semaphore_mem>>) src(%dma_wait3A_68 : memref<10112x32xf32, #tpu.memory_space<vmem_shared>>) dst(%arg14 : memref<128x32xf32, #tpu.memory_space<vmem>>)
      %add3A_69 = arith.constant 3 : i32
      %add3A_70 = arith.addi %add3A_62, %add3A_69 : i32
      %lt3A_71 = arith.constant 160 : i32
      %lt3A_72 = arith.cmpi slt, %add3A_70, %lt3A_71 : i32
      %convert_element_type3A_73 = arith.extui %lt3A_72 : i1 to i32
      %cond3A_74 = arith.constant 0 : i32
      %cond3A_75 = arith.cmpi ne, %convert_element_type3A_73, %cond3A_74 : i32
      scf.if %cond3A_75 {
        %add3A_140 = arith.constant 3 : i32
        %add3A_141 = arith.addi %add3A_62, %add3A_140 : i32
        %dma_start3A_142 = arith.constant 0 : i32
        %dma_start3A_143 = tpu.memref_slice %arg11[%add3A_141, %dma_start3A_142] : memref<160x128xi32, #tpu.memory_space<vmem>> -> memref<1x128xi32, #tpu.memory_space<vmem>>
        %dma_start3A_144 = tpu.memref_squeeze %dma_start3A_143 : memref<1x128xi32, #tpu.memory_space<vmem>> -> memref<128xi32, #tpu.memory_space<vmem>>
        %dma_start3A_145 = arith.constant 0 : i32
        %dma_start3A_146 = arith.constant 0 : i32
        %dma_start3A_147 = tpu.memref_slice %arg19[%dma_start3A_145, %dma_start3A_146] : memref<10112x32xf32, #tpu.memory_space<vmem_shared>> -> memref<10112x32xf32, #tpu.memory_space<vmem_shared>>
        tpu.enqueue_indirect_dma source(%dma_start3A_147 : memref<10112x32xf32, #tpu.memory_space<vmem_shared>>) target(%arg13 : memref<128x32xf32, #tpu.memory_space<vmem>>) offsets(%dma_start3A_144 : memref<128xi32, #tpu.memory_space<vmem>>) semaphore(%arg21 : memref<!tpu.dma_semaphore, #tpu.memory_space<semaphore_mem>>)
      } else {
      }
      "tpu.region"() ({
        %run_scoped3A = tpu.sem_alloc : memref<!tpu.dma_semaphore, #tpu.memory_space<semaphore_mem>>
        %dma_start3A_140 = arith.constant 0 : i32
        %dma_start3A_141 = tpu.memref_slice %arg12[%add3A_62, %dma_start3A_140] : memref<160x128xi32, #tpu.memory_space<vmem>> -> memref<1x128xi32, #tpu.memory_space<vmem>>
        %dma_start3A_142 = tpu.memref_squeeze %dma_start3A_141 : memref<1x128xi32, #tpu.memory_space<vmem>> -> memref<128xi32, #tpu.memory_space<vmem>>
        %dma_start3A_143 = arith.constant 0 : i32
        %dma_start3A_144 = arith.constant 0 : i32
        %dma_start3A_145 = tpu.memref_slice %arg18[%dma_start3A_143, %dma_start3A_144] : memref<10112x32xf32, #tpu.memory_space<vmem_shared>> -> memref<10112x32xf32, #tpu.memory_space<vmem_shared>>
        tpu.enqueue_indirect_dma source(%arg14 : memref<128x32xf32, #tpu.memory_space<vmem>>) target(%dma_start3A_145 : memref<10112x32xf32, #tpu.memory_space<vmem_shared>>) offsets(%dma_start3A_142 : memref<128xi32, #tpu.memory_space<vmem>>) semaphore(%run_scoped3A : memref<!tpu.dma_semaphore, #tpu.memory_space<semaphore_mem>>) {add = true}
        %dma_wait3A_146 = arith.constant 0 : i32
        %dma_wait3A_147 = tpu.memref_slice %arg12[%add3A_62, %dma_wait3A_146] : memref<160x128xi32, #tpu.memory_space<vmem>> -> memref<1x128xi32, #tpu.memory_space<vmem>>
        %dma_wait3A_148 = tpu.memref_squeeze %dma_wait3A_147 : memref<1x128xi32, #tpu.memory_space<vmem>> -> memref<128xi32, #tpu.memory_space<vmem>>
        %dma_wait3A_149 = arith.constant 0 : i32
        %dma_wait3A_150 = arith.constant 0 : i32
        %dma_wait3A_151 = tpu.memref_slice %arg18[%dma_wait3A_149, %dma_wait3A_150] : memref<10112x32xf32, #tpu.memory_space<vmem_shared>> -> memref<10112x32xf32, #tpu.memory_space<vmem_shared>>
        tpu.wait_indirect_dma semaphore(%run_scoped3A : memref<!tpu.dma_semaphore, #tpu.memory_space<semaphore_mem>>) src(%arg14 : memref<128x32xf32, #tpu.memory_space<vmem>>) dst(%dma_wait3A_151 : memref<10112x32xf32, #tpu.memory_space<vmem_shared>>)
        tpu.yield
      }) : () -> ()
      %eq3A_76 = arith.constant 0 : i32
      %eq3A_77 = arith.cmpi eq, %arg0, %eq3A_76 : i32
      %lt3A_78 = arith.constant 80 : i32
      %lt3A_79 = arith.cmpi slt, %add3A_62, %lt3A_78 : i32
      %ge3A_80 = arith.constant 80 : i32
      %ge3A_81 = arith.cmpi sge, %add3A_62, %ge3A_80 : i32
      %select_n3A_82 = arith.select %eq3A_77, %lt3A_79, %ge3A_81 : i1
      %convert_element_type3A_83 = arith.extui %select_n3A_82 : i1 to i32
      %cond3A_84 = arith.constant 0 : i32
      %cond3A_85 = arith.cmpi ne, %convert_element_type3A_83, %cond3A_84 : i32
      scf.if %cond3A_85 {
        "tpu.region"() ({
          %run_scoped3A = tpu.sem_alloc : memref<!tpu.dma_semaphore, #tpu.memory_space<semaphore_mem>>
          %dma_start3A_140 = arith.constant 0 : i32
          %dma_start3A_141 = tpu.memref_slice %arg12[%add3A_62, %dma_start3A_140] : memref<160x128xi32, #tpu.memory_space<vmem>> -> memref<1x128xi32, #tpu.memory_space<vmem>>
          %dma_start3A_142 = tpu.memref_squeeze %dma_start3A_141 : memref<1x128xi32, #tpu.memory_space<vmem>> -> memref<128xi32, #tpu.memory_space<vmem>>
          %dma_start3A_143 = arith.constant 0 : i32
          %dma_start3A_144 = arith.constant 0 : i32
          %dma_start3A_145 = tpu.memref_slice %arg20[%dma_start3A_143, %dma_start3A_144] : memref<10112x8xf32, #tpu.memory_space<vmem_shared>> -> memref<10112x8xf32, #tpu.memory_space<vmem_shared>>
          tpu.enqueue_indirect_dma source(%arg17 : memref<128x8xf32, #tpu.memory_space<vmem>>) target(%dma_start3A_145 : memref<10112x8xf32, #tpu.memory_space<vmem_shared>>) offsets(%dma_start3A_142 : memref<128xi32, #tpu.memory_space<vmem>>) semaphore(%run_scoped3A : memref<!tpu.dma_semaphore, #tpu.memory_space<semaphore_mem>>) {add = true}
          %dma_wait3A_146 = arith.constant 0 : i32
          %dma_wait3A_147 = tpu.memref_slice %arg12[%add3A_62, %dma_wait3A_146] : memref<160x128xi32, #tpu.memory_space<vmem>> -> memref<1x128xi32, #tpu.memory_space<vmem>>
          %dma_wait3A_148 = tpu.memref_squeeze %dma_wait3A_147 : memref<1x128xi32, #tpu.memory_space<vmem>> -> memref<128xi32, #tpu.memory_space<vmem>>
          %dma_wait3A_149 = arith.constant 0 : i32
          %dma_wait3A_150 = arith.constant 0 : i32
          %dma_wait3A_151 = tpu.memref_slice %arg20[%dma_wait3A_149, %dma_wait3A_150] : memref<10112x8xf32, #tpu.memory_space<vmem_shared>> -> memref<10112x8xf32, #tpu.memory_space<vmem_shared>>
          tpu.wait_indirect_dma semaphore(%run_scoped3A : memref<!tpu.dma_semaphore, #tpu.memory_space<semaphore_mem>>) src(%arg17 : memref<128x8xf32, #tpu.memory_space<vmem>>) dst(%dma_wait3A_151 : memref<10112x8xf32, #tpu.memory_space<vmem_shared>>)
          tpu.yield
        }) : () -> ()
      } else {
      }
      %mul3A_86 = arith.constant 4 : i32
      %mul3A_87 = arith.muli %mul3A_86, %scan3A_36 : i32
      %add3A_88 = arith.constant 2 : i32
      %add3A_89 = arith.addi %mul3A_87, %add3A_88 : i32
      %dma_wait3A_90 = arith.constant 0 : i32
      %dma_wait3A_91 = tpu.memref_slice %arg11[%add3A_89, %dma_wait3A_90] : memref<160x128xi32, #tpu.memory_space<vmem>> -> memref<1x128xi32, #tpu.memory_space<vmem>>
      %dma_wait3A_92 = tpu.memref_squeeze %dma_wait3A_91 : memref<1x128xi32, #tpu.memory_space<vmem>> -> memref<128xi32, #tpu.memory_space<vmem>>
      %dma_wait3A_93 = arith.constant 0 : i32
      %dma_wait3A_94 = arith.constant 0 : i32
      %dma_wait3A_95 = tpu.memref_slice %arg19[%dma_wait3A_93, %dma_wait3A_94] : memref<10112x32xf32, #tpu.memory_space<vmem_shared>> -> memref<10112x32xf32, #tpu.memory_space<vmem_shared>>
      tpu.wait_indirect_dma semaphore(%arg23 : memref<!tpu.dma_semaphore, #tpu.memory_space<semaphore_mem>>) src(%dma_wait3A_95 : memref<10112x32xf32, #tpu.memory_space<vmem_shared>>) dst(%arg15 : memref<128x32xf32, #tpu.memory_space<vmem>>)
      %add3A_96 = arith.constant 3 : i32
      %add3A_97 = arith.addi %add3A_89, %add3A_96 : i32
      %lt3A_98 = arith.constant 160 : i32
      %lt3A_99 = arith.cmpi slt, %add3A_97, %lt3A_98 : i32
      %convert_element_type3A_100 = arith.extui %lt3A_99 : i1 to i32
      %cond3A_101 = arith.constant 0 : i32
      %cond3A_102 = arith.cmpi ne, %convert_element_type3A_100, %cond3A_101 : i32
      scf.if %cond3A_102 {
        %add3A_140 = arith.constant 3 : i32
        %add3A_141 = arith.addi %add3A_89, %add3A_140 : i32
        %dma_start3A_142 = arith.constant 0 : i32
        %dma_start3A_143 = tpu.memref_slice %arg11[%add3A_141, %dma_start3A_142] : memref<160x128xi32, #tpu.memory_space<vmem>> -> memref<1x128xi32, #tpu.memory_space<vmem>>
        %dma_start3A_144 = tpu.memref_squeeze %dma_start3A_143 : memref<1x128xi32, #tpu.memory_space<vmem>> -> memref<128xi32, #tpu.memory_space<vmem>>
        %dma_start3A_145 = arith.constant 0 : i32
        %dma_start3A_146 = arith.constant 0 : i32
        %dma_start3A_147 = tpu.memref_slice %arg19[%dma_start3A_145, %dma_start3A_146] : memref<10112x32xf32, #tpu.memory_space<vmem_shared>> -> memref<10112x32xf32, #tpu.memory_space<vmem_shared>>
        tpu.enqueue_indirect_dma source(%dma_start3A_147 : memref<10112x32xf32, #tpu.memory_space<vmem_shared>>) target(%arg14 : memref<128x32xf32, #tpu.memory_space<vmem>>) offsets(%dma_start3A_144 : memref<128xi32, #tpu.memory_space<vmem>>) semaphore(%arg22 : memref<!tpu.dma_semaphore, #tpu.memory_space<semaphore_mem>>)
      } else {
      }
      "tpu.region"() ({
        %run_scoped3A = tpu.sem_alloc : memref<!tpu.dma_semaphore, #tpu.memory_space<semaphore_mem>>
        %dma_start3A_140 = arith.constant 0 : i32
        %dma_start3A_141 = tpu.memref_slice %arg12[%add3A_89, %dma_start3A_140] : memref<160x128xi32, #tpu.memory_space<vmem>> -> memref<1x128xi32, #tpu.memory_space<vmem>>
        %dma_start3A_142 = tpu.memref_squeeze %dma_start3A_141 : memref<1x128xi32, #tpu.memory_space<vmem>> -> memref<128xi32, #tpu.memory_space<vmem>>
        %dma_start3A_143 = arith.constant 0 : i32
        %dma_start3A_144 = arith.constant 0 : i32
        %dma_start3A_145 = tpu.memref_slice %arg18[%dma_start3A_143, %dma_start3A_144] : memref<10112x32xf32, #tpu.memory_space<vmem_shared>> -> memref<10112x32xf32, #tpu.memory_space<vmem_shared>>
        tpu.enqueue_indirect_dma source(%arg15 : memref<128x32xf32, #tpu.memory_space<vmem>>) target(%dma_start3A_145 : memref<10112x32xf32, #tpu.memory_space<vmem_shared>>) offsets(%dma_start3A_142 : memref<128xi32, #tpu.memory_space<vmem>>) semaphore(%run_scoped3A : memref<!tpu.dma_semaphore, #tpu.memory_space<semaphore_mem>>) {add = true}
        %dma_wait3A_146 = arith.constant 0 : i32
        %dma_wait3A_147 = tpu.memref_slice %arg12[%add3A_89, %dma_wait3A_146] : memref<160x128xi32, #tpu.memory_space<vmem>> -> memref<1x128xi32, #tpu.memory_space<vmem>>
        %dma_wait3A_148 = tpu.memref_squeeze %dma_wait3A_147 : memref<1x128xi32, #tpu.memory_space<vmem>> -> memref<128xi32, #tpu.memory_space<vmem>>
        %dma_wait3A_149 = arith.constant 0 : i32
        %dma_wait3A_150 = arith.constant 0 : i32
        %dma_wait3A_151 = tpu.memref_slice %arg18[%dma_wait3A_149, %dma_wait3A_150] : memref<10112x32xf32, #tpu.memory_space<vmem_shared>> -> memref<10112x32xf32, #tpu.memory_space<vmem_shared>>
        tpu.wait_indirect_dma semaphore(%run_scoped3A : memref<!tpu.dma_semaphore, #tpu.memory_space<semaphore_mem>>) src(%arg15 : memref<128x32xf32, #tpu.memory_space<vmem>>) dst(%dma_wait3A_151 : memref<10112x32xf32, #tpu.memory_space<vmem_shared>>)
        tpu.yield
      }) : () -> ()
      %eq3A_103 = arith.constant 0 : i32
      %eq3A_104 = arith.cmpi eq, %arg0, %eq3A_103 : i32
      %lt3A_105 = arith.constant 80 : i32
      %lt3A_106 = arith.cmpi slt, %add3A_89, %lt3A_105 : i32
      %ge3A_107 = arith.constant 80 : i32
      %ge3A_108 = arith.cmpi sge, %add3A_89, %ge3A_107 : i32
      %select_n3A_109 = arith.select %eq3A_104, %lt3A_106, %ge3A_108 : i1
      %convert_element_type3A_110 = arith.extui %select_n3A_109 : i1 to i32
      %cond3A_111 = arith.constant 0 : i32
      %cond3A_112 = arith.cmpi ne, %convert_element_type3A_110, %cond3A_111 : i32
      scf.if %cond3A_112 {
        "tpu.region"() ({
          %run_scoped3A = tpu.sem_alloc : memref<!tpu.dma_semaphore, #tpu.memory_space<semaphore_mem>>
          %dma_start3A_140 = arith.constant 0 : i32
          %dma_start3A_141 = tpu.memref_slice %arg12[%add3A_89, %dma_start3A_140] : memref<160x128xi32, #tpu.memory_space<vmem>> -> memref<1x128xi32, #tpu.memory_space<vmem>>
          %dma_start3A_142 = tpu.memref_squeeze %dma_start3A_141 : memref<1x128xi32, #tpu.memory_space<vmem>> -> memref<128xi32, #tpu.memory_space<vmem>>
          %dma_start3A_143 = arith.constant 0 : i32
          %dma_start3A_144 = arith.constant 0 : i32
          %dma_start3A_145 = tpu.memref_slice %arg20[%dma_start3A_143, %dma_start3A_144] : memref<10112x8xf32, #tpu.memory_space<vmem_shared>> -> memref<10112x8xf32, #tpu.memory_space<vmem_shared>>
          tpu.enqueue_indirect_dma source(%arg17 : memref<128x8xf32, #tpu.memory_space<vmem>>) target(%dma_start3A_145 : memref<10112x8xf32, #tpu.memory_space<vmem_shared>>) offsets(%dma_start3A_142 : memref<128xi32, #tpu.memory_space<vmem>>) semaphore(%run_scoped3A : memref<!tpu.dma_semaphore, #tpu.memory_space<semaphore_mem>>) {add = true}
          %dma_wait3A_146 = arith.constant 0 : i32
          %dma_wait3A_147 = tpu.memref_slice %arg12[%add3A_89, %dma_wait3A_146] : memref<160x128xi32, #tpu.memory_space<vmem>> -> memref<1x128xi32, #tpu.memory_space<vmem>>
          %dma_wait3A_148 = tpu.memref_squeeze %dma_wait3A_147 : memref<1x128xi32, #tpu.memory_space<vmem>> -> memref<128xi32, #tpu.memory_space<vmem>>
          %dma_wait3A_149 = arith.constant 0 : i32
          %dma_wait3A_150 = arith.constant 0 : i32
          %dma_wait3A_151 = tpu.memref_slice %arg20[%dma_wait3A_149, %dma_wait3A_150] : memref<10112x8xf32, #tpu.memory_space<vmem_shared>> -> memref<10112x8xf32, #tpu.memory_space<vmem_shared>>
          tpu.wait_indirect_dma semaphore(%run_scoped3A : memref<!tpu.dma_semaphore, #tpu.memory_space<semaphore_mem>>) src(%arg17 : memref<128x8xf32, #tpu.memory_space<vmem>>) dst(%dma_wait3A_151 : memref<10112x8xf32, #tpu.memory_space<vmem_shared>>)
          tpu.yield
        }) : () -> ()
      } else {
      }
      %mul3A_113 = arith.constant 4 : i32
      %mul3A_114 = arith.muli %mul3A_113, %scan3A_36 : i32
      %add3A_115 = arith.constant 3 : i32
      %add3A_116 = arith.addi %mul3A_114, %add3A_115 : i32
      %dma_wait3A_117 = arith.constant 0 : i32
      %dma_wait3A_118 = tpu.memref_slice %arg11[%add3A_116, %dma_wait3A_117] : memref<160x128xi32, #tpu.memory_space<vmem>> -> memref<1x128xi32, #tpu.memory_space<vmem>>
      %dma_wait3A_119 = tpu.memref_squeeze %dma_wait3A_118 : memref<1x128xi32, #tpu.memory_space<vmem>> -> memref<128xi32, #tpu.memory_space<vmem>>
      %dma_wait3A_120 = arith.constant 0 : i32
      %dma_wait3A_121 = arith.constant 0 : i32
      %dma_wait3A_122 = tpu.memref_slice %arg19[%dma_wait3A_120, %dma_wait3A_121] : memref<10112x32xf32, #tpu.memory_space<vmem_shared>> -> memref<10112x32xf32, #tpu.memory_space<vmem_shared>>
      tpu.wait_indirect_dma semaphore(%arg24 : memref<!tpu.dma_semaphore, #tpu.memory_space<semaphore_mem>>) src(%dma_wait3A_122 : memref<10112x32xf32, #tpu.memory_space<vmem_shared>>) dst(%arg16 : memref<128x32xf32, #tpu.memory_space<vmem>>)
      %add3A_123 = arith.constant 3 : i32
      %add3A_124 = arith.addi %add3A_116, %add3A_123 : i32
      %lt3A_125 = arith.constant 160 : i32
      %lt3A_126 = arith.cmpi slt, %add3A_124, %lt3A_125 : i32
      %convert_element_type3A_127 = arith.extui %lt3A_126 : i1 to i32
      %cond3A_128 = arith.constant 0 : i32
      %cond3A_129 = arith.cmpi ne, %convert_element_type3A_127, %cond3A_128 : i32
      scf.if %cond3A_129 {
        %add3A_140 = arith.constant 3 : i32
        %add3A_141 = arith.addi %add3A_116, %add3A_140 : i32
        %dma_start3A_142 = arith.constant 0 : i32
        %dma_start3A_143 = tpu.memref_slice %arg11[%add3A_141, %dma_start3A_142] : memref<160x128xi32, #tpu.memory_space<vmem>> -> memref<1x128xi32, #tpu.memory_space<vmem>>
        %dma_start3A_144 = tpu.memref_squeeze %dma_start3A_143 : memref<1x128xi32, #tpu.memory_space<vmem>> -> memref<128xi32, #tpu.memory_space<vmem>>
        %dma_start3A_145 = arith.constant 0 : i32
        %dma_start3A_146 = arith.constant 0 : i32
        %dma_start3A_147 = tpu.memref_slice %arg19[%dma_start3A_145, %dma_start3A_146] : memref<10112x32xf32, #tpu.memory_space<vmem_shared>> -> memref<10112x32xf32, #tpu.memory_space<vmem_shared>>
        tpu.enqueue_indirect_dma source(%dma_start3A_147 : memref<10112x32xf32, #tpu.memory_space<vmem_shared>>) target(%arg15 : memref<128x32xf32, #tpu.memory_space<vmem>>) offsets(%dma_start3A_144 : memref<128xi32, #tpu.memory_space<vmem>>) semaphore(%arg23 : memref<!tpu.dma_semaphore, #tpu.memory_space<semaphore_mem>>)
      } else {
      }
      "tpu.region"() ({
        %run_scoped3A = tpu.sem_alloc : memref<!tpu.dma_semaphore, #tpu.memory_space<semaphore_mem>>
        %dma_start3A_140 = arith.constant 0 : i32
        %dma_start3A_141 = tpu.memref_slice %arg12[%add3A_116, %dma_start3A_140] : memref<160x128xi32, #tpu.memory_space<vmem>> -> memref<1x128xi32, #tpu.memory_space<vmem>>
        %dma_start3A_142 = tpu.memref_squeeze %dma_start3A_141 : memref<1x128xi32, #tpu.memory_space<vmem>> -> memref<128xi32, #tpu.memory_space<vmem>>
        %dma_start3A_143 = arith.constant 0 : i32
        %dma_start3A_144 = arith.constant 0 : i32
        %dma_start3A_145 = tpu.memref_slice %arg18[%dma_start3A_143, %dma_start3A_144] : memref<10112x32xf32, #tpu.memory_space<vmem_shared>> -> memref<10112x32xf32, #tpu.memory_space<vmem_shared>>
        tpu.enqueue_indirect_dma source(%arg16 : memref<128x32xf32, #tpu.memory_space<vmem>>) target(%dma_start3A_145 : memref<10112x32xf32, #tpu.memory_space<vmem_shared>>) offsets(%dma_start3A_142 : memref<128xi32, #tpu.memory_space<vmem>>) semaphore(%run_scoped3A : memref<!tpu.dma_semaphore, #tpu.memory_space<semaphore_mem>>) {add = true}
        %dma_wait3A_146 = arith.constant 0 : i32
        %dma_wait3A_147 = tpu.memref_slice %arg12[%add3A_116, %dma_wait3A_146] : memref<160x128xi32, #tpu.memory_space<vmem>> -> memref<1x128xi32, #tpu.memory_space<vmem>>
        %dma_wait3A_148 = tpu.memref_squeeze %dma_wait3A_147 : memref<1x128xi32, #tpu.memory_space<vmem>> -> memref<128xi32, #tpu.memory_space<vmem>>
        %dma_wait3A_149 = arith.constant 0 : i32
        %dma_wait3A_150 = arith.constant 0 : i32
        %dma_wait3A_151 = tpu.memref_slice %arg18[%dma_wait3A_149, %dma_wait3A_150] : memref<10112x32xf32, #tpu.memory_space<vmem_shared>> -> memref<10112x32xf32, #tpu.memory_space<vmem_shared>>
        tpu.wait_indirect_dma semaphore(%run_scoped3A : memref<!tpu.dma_semaphore, #tpu.memory_space<semaphore_mem>>) src(%arg16 : memref<128x32xf32, #tpu.memory_space<vmem>>) dst(%dma_wait3A_151 : memref<10112x32xf32, #tpu.memory_space<vmem_shared>>)
        tpu.yield
      }) : () -> ()
      %eq3A_130 = arith.constant 0 : i32
      %eq3A_131 = arith.cmpi eq, %arg0, %eq3A_130 : i32
      %lt3A_132 = arith.constant 80 : i32
      %lt3A_133 = arith.cmpi slt, %add3A_116, %lt3A_132 : i32
      %ge3A_134 = arith.constant 80 : i32
      %ge3A_135 = arith.cmpi sge, %add3A_116, %ge3A_134 : i32
      %select_n3A_136 = arith.select %eq3A_131, %lt3A_133, %ge3A_135 : i1
      %convert_element_type3A_137 = arith.extui %select_n3A_136 : i1 to i32
      %cond3A_138 = arith.constant 0 : i32
      %cond3A_139 = arith.cmpi ne, %convert_element_type3A_137, %cond3A_138 : i32
      scf.if %cond3A_139 {
        "tpu.region"() ({
          %run_scoped3A = tpu.sem_alloc : memref<!tpu.dma_semaphore, #tpu.memory_space<semaphore_mem>>
          %dma_start3A_140 = arith.constant 0 : i32
          %dma_start3A_141 = tpu.memref_slice %arg12[%add3A_116, %dma_start3A_140] : memref<160x128xi32, #tpu.memory_space<vmem>> -> memref<1x128xi32, #tpu.memory_space<vmem>>
          %dma_start3A_142 = tpu.memref_squeeze %dma_start3A_141 : memref<1x128xi32, #tpu.memory_space<vmem>> -> memref<128xi32, #tpu.memory_space<vmem>>
          %dma_start3A_143 = arith.constant 0 : i32
          %dma_start3A_144 = arith.constant 0 : i32
          %dma_start3A_145 = tpu.memref_slice %arg20[%dma_start3A_143, %dma_start3A_144] : memref<10112x8xf32, #tpu.memory_space<vmem_shared>> -> memref<10112x8xf32, #tpu.memory_space<vmem_shared>>
          tpu.enqueue_indirect_dma source(%arg17 : memref<128x8xf32, #tpu.memory_space<vmem>>) target(%dma_start3A_145 : memref<10112x8xf32, #tpu.memory_space<vmem_shared>>) offsets(%dma_start3A_142 : memref<128xi32, #tpu.memory_space<vmem>>) semaphore(%run_scoped3A : memref<!tpu.dma_semaphore, #tpu.memory_space<semaphore_mem>>) {add = true}
          %dma_wait3A_146 = arith.constant 0 : i32
          %dma_wait3A_147 = tpu.memref_slice %arg12[%add3A_116, %dma_wait3A_146] : memref<160x128xi32, #tpu.memory_space<vmem>> -> memref<1x128xi32, #tpu.memory_space<vmem>>
          %dma_wait3A_148 = tpu.memref_squeeze %dma_wait3A_147 : memref<1x128xi32, #tpu.memory_space<vmem>> -> memref<128xi32, #tpu.memory_space<vmem>>
          %dma_wait3A_149 = arith.constant 0 : i32
          %dma_wait3A_150 = arith.constant 0 : i32
          %dma_wait3A_151 = tpu.memref_slice %arg20[%dma_wait3A_149, %dma_wait3A_150] : memref<10112x8xf32, #tpu.memory_space<vmem_shared>> -> memref<10112x8xf32, #tpu.memory_space<vmem_shared>>
          tpu.wait_indirect_dma semaphore(%run_scoped3A : memref<!tpu.dma_semaphore, #tpu.memory_space<semaphore_mem>>) src(%arg17 : memref<128x8xf32, #tpu.memory_space<vmem>>) dst(%dma_wait3A_151 : memref<10112x8xf32, #tpu.memory_space<vmem_shared>>)
          tpu.yield
        }) : () -> ()
      } else {
      }
    }
    %scan3A_34 = arith.constant 40 : i32
    %barrier3A_35 = arith.constant 0 : index
    tpu.barrier barrier_id(%barrier3A_35)
    "tpu.region"() ({
      %run_scoped3A = tpu.sem_alloc : memref<!tpu.dma_semaphore, #tpu.memory_space<semaphore_mem>>
      %dma_start3A_36 = arith.constant 0 : i32
      %dma_start3A_37 = arith.constant 0 : i32
      %dma_start3A_38 = tpu.memref_slice %arg9[%arg0, %dma_start3A_36, %dma_start3A_37] : memref<2x10112x32xf32, #tpu.memory_space<hbm>> -> memref<1x10112x32xf32, #tpu.memory_space<hbm>>
      %dma_start3A_39 = tpu.memref_squeeze %dma_start3A_38 : memref<1x10112x32xf32, #tpu.memory_space<hbm>> -> memref<10112x32xf32, #tpu.memory_space<hbm>>
      %dma_start3A_40 = arith.constant 0 : i32
      %dma_start3A_41 = tpu.memref_slice %dma_start3A_39[%mul3A_0, %dma_start3A_40] : memref<10112x32xf32, #tpu.memory_space<hbm>> -> memref<632x32xf32, #tpu.memory_space<hbm>>
      %dma_start3A_42 = arith.constant 0 : i32
      %dma_start3A_43 = tpu.memref_slice %arg18[%mul3A_0, %dma_start3A_42] : memref<10112x32xf32, #tpu.memory_space<vmem_shared>> -> memref<632x32xf32, #tpu.memory_space<vmem_shared>>
      tpu.enqueue_dma source(%dma_start3A_43 : memref<632x32xf32, #tpu.memory_space<vmem_shared>>) target(%dma_start3A_41 : memref<632x32xf32, #tpu.memory_space<hbm>>) target_semaphore(%run_scoped3A : memref<!tpu.dma_semaphore, #tpu.memory_space<semaphore_mem>>)
      %dma_wait3A = arith.constant 0 : i32
      %dma_wait3A_44 = arith.constant 0 : i32
      %dma_wait3A_45 = tpu.memref_slice %arg9[%arg0, %dma_wait3A, %dma_wait3A_44] : memref<2x10112x32xf32, #tpu.memory_space<hbm>> -> memref<1x10112x32xf32, #tpu.memory_space<hbm>>
      %dma_wait3A_46 = tpu.memref_squeeze %dma_wait3A_45 : memref<1x10112x32xf32, #tpu.memory_space<hbm>> -> memref<10112x32xf32, #tpu.memory_space<hbm>>
      %dma_wait3A_47 = arith.constant 0 : i32
      %dma_wait3A_48 = tpu.memref_slice %dma_wait3A_46[%mul3A_0, %dma_wait3A_47] : memref<10112x32xf32, #tpu.memory_space<hbm>> -> memref<632x32xf32, #tpu.memory_space<hbm>>
      %dma_wait3A_49 = arith.constant 0 : i32
      %dma_wait3A_50 = tpu.memref_slice %arg18[%mul3A_0, %dma_wait3A_49] : memref<10112x32xf32, #tpu.memory_space<vmem_shared>> -> memref<632x32xf32, #tpu.memory_space<vmem_shared>>
      tpu.wait_dma2 semaphore(%run_scoped3A : memref<!tpu.dma_semaphore, #tpu.memory_space<semaphore_mem>>) src(%dma_wait3A_50 : memref<632x32xf32, #tpu.memory_space<vmem_shared>>) dst(%dma_wait3A_48 : memref<632x32xf32, #tpu.memory_space<hbm>>)
      tpu.yield
    }) : () -> ()
    "tpu.region"() ({
      %run_scoped3A = tpu.sem_alloc : memref<!tpu.dma_semaphore, #tpu.memory_space<semaphore_mem>>
      %dma_start3A_36 = arith.constant 0 : i32
      %dma_start3A_37 = arith.constant 0 : i32
      %dma_start3A_38 = tpu.memref_slice %arg10[%arg0, %dma_start3A_36, %dma_start3A_37] : memref<2x10112x8xf32, #tpu.memory_space<hbm>> -> memref<1x10112x8xf32, #tpu.memory_space<hbm>>
      %dma_start3A_39 = tpu.memref_squeeze %dma_start3A_38 : memref<1x10112x8xf32, #tpu.memory_space<hbm>> -> memref<10112x8xf32, #tpu.memory_space<hbm>>
      %dma_start3A_40 = arith.constant 0 : i32
      %dma_start3A_41 = tpu.memref_slice %dma_start3A_39[%mul3A_0, %dma_start3A_40] : memref<10112x8xf32, #tpu.memory_space<hbm>> -> memref<632x8xf32, #tpu.memory_space<hbm>>
      %dma_start3A_42 = arith.constant 0 : i32
      %dma_start3A_43 = tpu.memref_slice %arg20[%mul3A_0, %dma_start3A_42] : memref<10112x8xf32, #tpu.memory_space<vmem_shared>> -> memref<632x8xf32, #tpu.memory_space<vmem_shared>>
      tpu.enqueue_dma source(%dma_start3A_43 : memref<632x8xf32, #tpu.memory_space<vmem_shared>>) target(%dma_start3A_41 : memref<632x8xf32, #tpu.memory_space<hbm>>) target_semaphore(%run_scoped3A : memref<!tpu.dma_semaphore, #tpu.memory_space<semaphore_mem>>)
      %dma_wait3A = arith.constant 0 : i32
      %dma_wait3A_44 = arith.constant 0 : i32
      %dma_wait3A_45 = tpu.memref_slice %arg10[%arg0, %dma_wait3A, %dma_wait3A_44] : memref<2x10112x8xf32, #tpu.memory_space<hbm>> -> memref<1x10112x8xf32, #tpu.memory_space<hbm>>
      %dma_wait3A_46 = tpu.memref_squeeze %dma_wait3A_45 : memref<1x10112x8xf32, #tpu.memory_space<hbm>> -> memref<10112x8xf32, #tpu.memory_space<hbm>>
      %dma_wait3A_47 = arith.constant 0 : i32
      %dma_wait3A_48 = tpu.memref_slice %dma_wait3A_46[%mul3A_0, %dma_wait3A_47] : memref<10112x8xf32, #tpu.memory_space<hbm>> -> memref<632x8xf32, #tpu.memory_space<hbm>>
      %dma_wait3A_49 = arith.constant 0 : i32
      %dma_wait3A_50 = tpu.memref_slice %arg20[%mul3A_0, %dma_wait3A_49] : memref<10112x8xf32, #tpu.memory_space<vmem_shared>> -> memref<632x8xf32, #tpu.memory_space<vmem_shared>>
      tpu.wait_dma2 semaphore(%run_scoped3A : memref<!tpu.dma_semaphore, #tpu.memory_space<semaphore_mem>>) src(%dma_wait3A_50 : memref<632x8xf32, #tpu.memory_space<vmem_shared>>) dst(%dma_wait3A_48 : memref<632x8xf32, #tpu.memory_space<hbm>>)
      tpu.yield
    }) : () -> ()
    return
  }
}

#map = affine_map<(d0, d1) -> (0, 0)>
#map1 = affine_map<(d0, d1) -> (0, 0, 0)>
module attributes {stable_mosaic.version = 14 : i64} {
  func.func @body(%arg0: i32, %arg1: i32, %arg2: memref<10112x32xf32, #tpu.memory_space<hbm>>, %arg3: memref<2560x128xi32, #tpu.memory_space<hbm>>, %arg4: memref<2560x128xi32, #tpu.memory_space<hbm>>, %arg5: memref<10112x32xf32, #tpu.memory_space<hbm>>, %arg6: memref<2x10112x32xf32, #tpu.memory_space<hbm>>, %arg7: memref<80x128xi32, #tpu.memory_space<vmem>>, %arg8: memref<80x128xi32, #tpu.memory_space<vmem>>, %arg9: memref<128x32xf32, #tpu.memory_space<vmem>>, %arg10: memref<128x32xf32, #tpu.memory_space<vmem>>, %arg11: memref<128x32xf32, #tpu.memory_space<vmem>>, %arg12: memref<128x32xf32, #tpu.memory_space<vmem>>, %arg13: memref<10112x32xf32, #tpu.memory_space<vmem_shared>>, %arg14: memref<10112x32xf32, #tpu.memory_space<vmem_shared>>, %arg15: memref<!tpu.dma_semaphore, #tpu.memory_space<semaphore_mem>>, %arg16: memref<!tpu.dma_semaphore, #tpu.memory_space<semaphore_mem>>, %arg17: memref<!tpu.dma_semaphore, #tpu.memory_space<semaphore_mem>>, %arg18: memref<!tpu.dma_semaphore, #tpu.memory_space<semaphore_mem>>) attributes {dimension_semantics = [#tpu.dimension_semantics<core_parallel>, #tpu.dimension_semantics<subcore_parallel>], iteration_bounds = array<i64: 2, 16>, scalar_prefetch = 0 : i64, scratch_operands = 12 : i64, tpu.core_type = #tpu.core_type<sc_vector_subcore>, window_params = [{transform_indices = #map}, {transform_indices = #map}, {transform_indices = #map}, {transform_indices = #map}, {transform_indices = #map1}]} {
    %mul3A = arith.constant 16 : i32
    %mul3A_0 = arith.muli %arg0, %mul3A : i32
    %add3A = arith.addi %mul3A_0, %arg1 : i32
    %mul3A_1 = arith.constant 632 : i32
    %mul3A_2 = arith.muli %arg1, %mul3A_1 : i32
    "tpu.region"() ({
      %run_scoped3A = tpu.sem_alloc : memref<!tpu.dma_semaphore, #tpu.memory_space<semaphore_mem>>
      %dma_start3A_31 = arith.constant 0 : i32
      %dma_start3A_32 = tpu.memref_slice %arg13[%mul3A_2, %dma_start3A_31] : memref<10112x32xf32, #tpu.memory_space<vmem_shared>> -> memref<632x32xf32, #tpu.memory_space<vmem_shared>>
      %dma_start3A_33 = arith.constant 0 : i32
      %dma_start3A_34 = tpu.memref_slice %arg5[%mul3A_2, %dma_start3A_33] : memref<10112x32xf32, #tpu.memory_space<hbm>> -> memref<632x32xf32, #tpu.memory_space<hbm>>
      tpu.enqueue_dma source(%dma_start3A_34 : memref<632x32xf32, #tpu.memory_space<hbm>>) target(%dma_start3A_32 : memref<632x32xf32, #tpu.memory_space<vmem_shared>>) target_semaphore(%run_scoped3A : memref<!tpu.dma_semaphore, #tpu.memory_space<semaphore_mem>>)
      %dma_wait3A = arith.constant 0 : i32
      %dma_wait3A_35 = tpu.memref_slice %arg13[%mul3A_2, %dma_wait3A] : memref<10112x32xf32, #tpu.memory_space<vmem_shared>> -> memref<632x32xf32, #tpu.memory_space<vmem_shared>>
      %dma_wait3A_36 = arith.constant 0 : i32
      %dma_wait3A_37 = tpu.memref_slice %arg5[%mul3A_2, %dma_wait3A_36] : memref<10112x32xf32, #tpu.memory_space<hbm>> -> memref<632x32xf32, #tpu.memory_space<hbm>>
      tpu.wait_dma2 semaphore(%run_scoped3A : memref<!tpu.dma_semaphore, #tpu.memory_space<semaphore_mem>>) src(%dma_wait3A_37 : memref<632x32xf32, #tpu.memory_space<hbm>>) dst(%dma_wait3A_35 : memref<632x32xf32, #tpu.memory_space<vmem_shared>>)
      tpu.yield
    }) : () -> ()
    "tpu.region"() ({
      %run_scoped3A = tpu.sem_alloc : memref<!tpu.dma_semaphore, #tpu.memory_space<semaphore_mem>>
      %dma_start3A_31 = arith.constant 0 : i32
      %dma_start3A_32 = tpu.memref_slice %arg14[%mul3A_2, %dma_start3A_31] : memref<10112x32xf32, #tpu.memory_space<vmem_shared>> -> memref<632x32xf32, #tpu.memory_space<vmem_shared>>
      %dma_start3A_33 = arith.constant 0 : i32
      %dma_start3A_34 = tpu.memref_slice %arg2[%mul3A_2, %dma_start3A_33] : memref<10112x32xf32, #tpu.memory_space<hbm>> -> memref<632x32xf32, #tpu.memory_space<hbm>>
      tpu.enqueue_dma source(%dma_start3A_34 : memref<632x32xf32, #tpu.memory_space<hbm>>) target(%dma_start3A_32 : memref<632x32xf32, #tpu.memory_space<vmem_shared>>) target_semaphore(%run_scoped3A : memref<!tpu.dma_semaphore, #tpu.memory_space<semaphore_mem>>)
      %dma_wait3A = arith.constant 0 : i32
      %dma_wait3A_35 = tpu.memref_slice %arg14[%mul3A_2, %dma_wait3A] : memref<10112x32xf32, #tpu.memory_space<vmem_shared>> -> memref<632x32xf32, #tpu.memory_space<vmem_shared>>
      %dma_wait3A_36 = arith.constant 0 : i32
      %dma_wait3A_37 = tpu.memref_slice %arg2[%mul3A_2, %dma_wait3A_36] : memref<10112x32xf32, #tpu.memory_space<hbm>> -> memref<632x32xf32, #tpu.memory_space<hbm>>
      tpu.wait_dma2 semaphore(%run_scoped3A : memref<!tpu.dma_semaphore, #tpu.memory_space<semaphore_mem>>) src(%dma_wait3A_37 : memref<632x32xf32, #tpu.memory_space<hbm>>) dst(%dma_wait3A_35 : memref<632x32xf32, #tpu.memory_space<vmem_shared>>)
      tpu.yield
    }) : () -> ()
    %barrier3A = arith.constant 0 : index
    tpu.barrier barrier_id(%barrier3A)
    %mul3A_3 = arith.constant 80 : i32
    %mul3A_4 = arith.muli %add3A, %mul3A_3 : i32
    "tpu.region"() ({
      %run_scoped3A = tpu.sem_alloc : memref<!tpu.dma_semaphore, #tpu.memory_space<semaphore_mem>>
      %dma_start3A_31 = arith.constant 0 : i32
      %dma_start3A_32 = tpu.memref_slice %arg3[%mul3A_4, %dma_start3A_31] : memref<2560x128xi32, #tpu.memory_space<hbm>> -> memref<80x128xi32, #tpu.memory_space<hbm>>
      %dma_start3A_33 = arith.constant 0 : i32
      %dma_start3A_34 = tpu.memref_slice %arg3[%mul3A_4, %dma_start3A_33] : memref<2560x128xi32, #tpu.memory_space<hbm>> -> memref<80x128xi32, #tpu.memory_space<hbm>>
      tpu.enqueue_dma source(%dma_start3A_34 : memref<80x128xi32, #tpu.memory_space<hbm>>) target(%arg7 : memref<80x128xi32, #tpu.memory_space<vmem>>) target_semaphore(%run_scoped3A : memref<!tpu.dma_semaphore, #tpu.memory_space<semaphore_mem>>)
      %dma_wait3A = arith.constant 0 : i32
      %dma_wait3A_35 = tpu.memref_slice %arg3[%mul3A_4, %dma_wait3A] : memref<2560x128xi32, #tpu.memory_space<hbm>> -> memref<80x128xi32, #tpu.memory_space<hbm>>
      %dma_wait3A_36 = arith.constant 0 : i32
      %dma_wait3A_37 = tpu.memref_slice %arg3[%mul3A_4, %dma_wait3A_36] : memref<2560x128xi32, #tpu.memory_space<hbm>> -> memref<80x128xi32, #tpu.memory_space<hbm>>
      tpu.wait_dma2 semaphore(%run_scoped3A : memref<!tpu.dma_semaphore, #tpu.memory_space<semaphore_mem>>) src(%dma_wait3A_37 : memref<80x128xi32, #tpu.memory_space<hbm>>) dst(%arg7 : memref<80x128xi32, #tpu.memory_space<vmem>>)
      tpu.yield
    }) : () -> ()
    "tpu.region"() ({
      %run_scoped3A = tpu.sem_alloc : memref<!tpu.dma_semaphore, #tpu.memory_space<semaphore_mem>>
      %dma_start3A_31 = arith.constant 0 : i32
      %dma_start3A_32 = tpu.memref_slice %arg4[%mul3A_4, %dma_start3A_31] : memref<2560x128xi32, #tpu.memory_space<hbm>> -> memref<80x128xi32, #tpu.memory_space<hbm>>
      %dma_start3A_33 = arith.constant 0 : i32
      %dma_start3A_34 = tpu.memref_slice %arg4[%mul3A_4, %dma_start3A_33] : memref<2560x128xi32, #tpu.memory_space<hbm>> -> memref<80x128xi32, #tpu.memory_space<hbm>>
      tpu.enqueue_dma source(%dma_start3A_34 : memref<80x128xi32, #tpu.memory_space<hbm>>) target(%arg8 : memref<80x128xi32, #tpu.memory_space<vmem>>) target_semaphore(%run_scoped3A : memref<!tpu.dma_semaphore, #tpu.memory_space<semaphore_mem>>)
      %dma_wait3A = arith.constant 0 : i32
      %dma_wait3A_35 = tpu.memref_slice %arg4[%mul3A_4, %dma_wait3A] : memref<2560x128xi32, #tpu.memory_space<hbm>> -> memref<80x128xi32, #tpu.memory_space<hbm>>
      %dma_wait3A_36 = arith.constant 0 : i32
      %dma_wait3A_37 = tpu.memref_slice %arg4[%mul3A_4, %dma_wait3A_36] : memref<2560x128xi32, #tpu.memory_space<hbm>> -> memref<80x128xi32, #tpu.memory_space<hbm>>
      tpu.wait_dma2 semaphore(%run_scoped3A : memref<!tpu.dma_semaphore, #tpu.memory_space<semaphore_mem>>) src(%dma_wait3A_37 : memref<80x128xi32, #tpu.memory_space<hbm>>) dst(%arg8 : memref<80x128xi32, #tpu.memory_space<vmem>>)
      tpu.yield
    }) : () -> ()
    %dma_start3A = arith.constant 0 : i32
    %dma_start3A_5 = arith.constant 0 : i32
    %dma_start3A_6 = tpu.memref_slice %arg7[%dma_start3A, %dma_start3A_5] : memref<80x128xi32, #tpu.memory_space<vmem>> -> memref<1x128xi32, #tpu.memory_space<vmem>>
    %dma_start3A_7 = tpu.memref_squeeze %dma_start3A_6 : memref<1x128xi32, #tpu.memory_space<vmem>> -> memref<128xi32, #tpu.memory_space<vmem>>
    %dma_start3A_8 = arith.constant 0 : i32
    %dma_start3A_9 = arith.constant 0 : i32
    %dma_start3A_10 = tpu.memref_slice %arg14[%dma_start3A_8, %dma_start3A_9] : memref<10112x32xf32, #tpu.memory_space<vmem_shared>> -> memref<10112x32xf32, #tpu.memory_space<vmem_shared>>
    tpu.enqueue_indirect_dma source(%dma_start3A_10 : memref<10112x32xf32, #tpu.memory_space<vmem_shared>>) target(%arg9 : memref<128x32xf32, #tpu.memory_space<vmem>>) offsets(%dma_start3A_7 : memref<128xi32, #tpu.memory_space<vmem>>) semaphore(%arg15 : memref<!tpu.dma_semaphore, #tpu.memory_space<semaphore_mem>>)
    %dma_start3A_11 = arith.constant 1 : i32
    %dma_start3A_12 = arith.constant 0 : i32
    %dma_start3A_13 = tpu.memref_slice %arg7[%dma_start3A_11, %dma_start3A_12] : memref<80x128xi32, #tpu.memory_space<vmem>> -> memref<1x128xi32, #tpu.memory_space<vmem>>
    %dma_start3A_14 = tpu.memref_squeeze %dma_start3A_13 : memref<1x128xi32, #tpu.memory_space<vmem>> -> memref<128xi32, #tpu.memory_space<vmem>>
    %dma_start3A_15 = arith.constant 0 : i32
    %dma_start3A_16 = arith.constant 0 : i32
    %dma_start3A_17 = tpu.memref_slice %arg14[%dma_start3A_15, %dma_start3A_16] : memref<10112x32xf32, #tpu.memory_space<vmem_shared>> -> memref<10112x32xf32, #tpu.memory_space<vmem_shared>>
    tpu.enqueue_indirect_dma source(%dma_start3A_17 : memref<10112x32xf32, #tpu.memory_space<vmem_shared>>) target(%arg10 : memref<128x32xf32, #tpu.memory_space<vmem>>) offsets(%dma_start3A_14 : memref<128xi32, #tpu.memory_space<vmem>>) semaphore(%arg16 : memref<!tpu.dma_semaphore, #tpu.memory_space<semaphore_mem>>)
    %dma_start3A_18 = arith.constant 2 : i32
    %dma_start3A_19 = arith.constant 0 : i32
    %dma_start3A_20 = tpu.memref_slice %arg7[%dma_start3A_18, %dma_start3A_19] : memref<80x128xi32, #tpu.memory_space<vmem>> -> memref<1x128xi32, #tpu.memory_space<vmem>>
    %dma_start3A_21 = tpu.memref_squeeze %dma_start3A_20 : memref<1x128xi32, #tpu.memory_space<vmem>> -> memref<128xi32, #tpu.memory_space<vmem>>
    %dma_start3A_22 = arith.constant 0 : i32
    %dma_start3A_23 = arith.constant 0 : i32
    %dma_start3A_24 = tpu.memref_slice %arg14[%dma_start3A_22, %dma_start3A_23] : memref<10112x32xf32, #tpu.memory_space<vmem_shared>> -> memref<10112x32xf32, #tpu.memory_space<vmem_shared>>
    tpu.enqueue_indirect_dma source(%dma_start3A_24 : memref<10112x32xf32, #tpu.memory_space<vmem_shared>>) target(%arg11 : memref<128x32xf32, #tpu.memory_space<vmem>>) offsets(%dma_start3A_21 : memref<128xi32, #tpu.memory_space<vmem>>) semaphore(%arg17 : memref<!tpu.dma_semaphore, #tpu.memory_space<semaphore_mem>>)
    %scan3A = arith.constant 0 : i32
    %scan3A_25 = arith.constant 0 : i32
    %scan3A_26 = arith.constant 20 : i32
    %scan3A_27 = arith.addi %scan3A_25, %scan3A_26 : i32
    %scan3A_28 = arith.constant 1 : i32
    scf.for %scan3A_31 = %scan3A_25 to %scan3A_27 step %scan3A_28  : i32 {
      %mul3A_32 = arith.constant 4 : i32
      %mul3A_33 = arith.muli %mul3A_32, %scan3A_31 : i32
      %add3A_34 = arith.constant 0 : i32
      %add3A_35 = arith.addi %mul3A_33, %add3A_34 : i32
      %dma_wait3A = arith.constant 0 : i32
      %dma_wait3A_36 = tpu.memref_slice %arg7[%add3A_35, %dma_wait3A] : memref<80x128xi32, #tpu.memory_space<vmem>> -> memref<1x128xi32, #tpu.memory_space<vmem>>
      %dma_wait3A_37 = tpu.memref_squeeze %dma_wait3A_36 : memref<1x128xi32, #tpu.memory_space<vmem>> -> memref<128xi32, #tpu.memory_space<vmem>>
      %dma_wait3A_38 = arith.constant 0 : i32
      %dma_wait3A_39 = arith.constant 0 : i32
      %dma_wait3A_40 = tpu.memref_slice %arg14[%dma_wait3A_38, %dma_wait3A_39] : memref<10112x32xf32, #tpu.memory_space<vmem_shared>> -> memref<10112x32xf32, #tpu.memory_space<vmem_shared>>
      tpu.wait_indirect_dma semaphore(%arg15 : memref<!tpu.dma_semaphore, #tpu.memory_space<semaphore_mem>>) src(%dma_wait3A_40 : memref<10112x32xf32, #tpu.memory_space<vmem_shared>>) dst(%arg9 : memref<128x32xf32, #tpu.memory_space<vmem>>)
      %add3A_41 = arith.constant 3 : i32
      %add3A_42 = arith.addi %add3A_35, %add3A_41 : i32
      %lt3A = arith.constant 80 : i32
      %lt3A_43 = arith.cmpi slt, %add3A_42, %lt3A : i32
      %convert_element_type3A = arith.extui %lt3A_43 : i1 to i32
      %cond3A = arith.constant 0 : i32
      %cond3A_44 = arith.cmpi ne, %convert_element_type3A, %cond3A : i32
      scf.if %cond3A_44 {
        %add3A_96 = arith.constant 3 : i32
        %add3A_97 = arith.addi %add3A_35, %add3A_96 : i32
        %dma_start3A_98 = arith.constant 0 : i32
        %dma_start3A_99 = tpu.memref_slice %arg7[%add3A_97, %dma_start3A_98] : memref<80x128xi32, #tpu.memory_space<vmem>> -> memref<1x128xi32, #tpu.memory_space<vmem>>
        %dma_start3A_100 = tpu.memref_squeeze %dma_start3A_99 : memref<1x128xi32, #tpu.memory_space<vmem>> -> memref<128xi32, #tpu.memory_space<vmem>>
        %dma_start3A_101 = arith.constant 0 : i32
        %dma_start3A_102 = arith.constant 0 : i32
        %dma_start3A_103 = tpu.memref_slice %arg14[%dma_start3A_101, %dma_start3A_102] : memref<10112x32xf32, #tpu.memory_space<vmem_shared>> -> memref<10112x32xf32, #tpu.memory_space<vmem_shared>>
        tpu.enqueue_indirect_dma source(%dma_start3A_103 : memref<10112x32xf32, #tpu.memory_space<vmem_shared>>) target(%arg12 : memref<128x32xf32, #tpu.memory_space<vmem>>) offsets(%dma_start3A_100 : memref<128xi32, #tpu.memory_space<vmem>>) semaphore(%arg18 : memref<!tpu.dma_semaphore, #tpu.memory_space<semaphore_mem>>)
      } else {
      }
      "tpu.region"() ({
        %run_scoped3A = tpu.sem_alloc : memref<!tpu.dma_semaphore, #tpu.memory_space<semaphore_mem>>
        %dma_start3A_96 = arith.constant 0 : i32
        %dma_start3A_97 = tpu.memref_slice %arg8[%add3A_35, %dma_start3A_96] : memref<80x128xi32, #tpu.memory_space<vmem>> -> memref<1x128xi32, #tpu.memory_space<vmem>>
        %dma_start3A_98 = tpu.memref_squeeze %dma_start3A_97 : memref<1x128xi32, #tpu.memory_space<vmem>> -> memref<128xi32, #tpu.memory_space<vmem>>
        %dma_start3A_99 = arith.constant 0 : i32
        %dma_start3A_100 = arith.constant 0 : i32
        %dma_start3A_101 = tpu.memref_slice %arg13[%dma_start3A_99, %dma_start3A_100] : memref<10112x32xf32, #tpu.memory_space<vmem_shared>> -> memref<10112x32xf32, #tpu.memory_space<vmem_shared>>
        tpu.enqueue_indirect_dma source(%arg9 : memref<128x32xf32, #tpu.memory_space<vmem>>) target(%dma_start3A_101 : memref<10112x32xf32, #tpu.memory_space<vmem_shared>>) offsets(%dma_start3A_98 : memref<128xi32, #tpu.memory_space<vmem>>) semaphore(%run_scoped3A : memref<!tpu.dma_semaphore, #tpu.memory_space<semaphore_mem>>) {add = true}
        %dma_wait3A_102 = arith.constant 0 : i32
        %dma_wait3A_103 = tpu.memref_slice %arg8[%add3A_35, %dma_wait3A_102] : memref<80x128xi32, #tpu.memory_space<vmem>> -> memref<1x128xi32, #tpu.memory_space<vmem>>
        %dma_wait3A_104 = tpu.memref_squeeze %dma_wait3A_103 : memref<1x128xi32, #tpu.memory_space<vmem>> -> memref<128xi32, #tpu.memory_space<vmem>>
        %dma_wait3A_105 = arith.constant 0 : i32
        %dma_wait3A_106 = arith.constant 0 : i32
        %dma_wait3A_107 = tpu.memref_slice %arg13[%dma_wait3A_105, %dma_wait3A_106] : memref<10112x32xf32, #tpu.memory_space<vmem_shared>> -> memref<10112x32xf32, #tpu.memory_space<vmem_shared>>
        tpu.wait_indirect_dma semaphore(%run_scoped3A : memref<!tpu.dma_semaphore, #tpu.memory_space<semaphore_mem>>) src(%arg9 : memref<128x32xf32, #tpu.memory_space<vmem>>) dst(%dma_wait3A_107 : memref<10112x32xf32, #tpu.memory_space<vmem_shared>>)
        tpu.yield
      }) : () -> ()
      %mul3A_45 = arith.constant 4 : i32
      %mul3A_46 = arith.muli %mul3A_45, %scan3A_31 : i32
      %add3A_47 = arith.constant 1 : i32
      %add3A_48 = arith.addi %mul3A_46, %add3A_47 : i32
      %dma_wait3A_49 = arith.constant 0 : i32
      %dma_wait3A_50 = tpu.memref_slice %arg7[%add3A_48, %dma_wait3A_49] : memref<80x128xi32, #tpu.memory_space<vmem>> -> memref<1x128xi32, #tpu.memory_space<vmem>>
      %dma_wait3A_51 = tpu.memref_squeeze %dma_wait3A_50 : memref<1x128xi32, #tpu.memory_space<vmem>> -> memref<128xi32, #tpu.memory_space<vmem>>
      %dma_wait3A_52 = arith.constant 0 : i32
      %dma_wait3A_53 = arith.constant 0 : i32
      %dma_wait3A_54 = tpu.memref_slice %arg14[%dma_wait3A_52, %dma_wait3A_53] : memref<10112x32xf32, #tpu.memory_space<vmem_shared>> -> memref<10112x32xf32, #tpu.memory_space<vmem_shared>>
      tpu.wait_indirect_dma semaphore(%arg16 : memref<!tpu.dma_semaphore, #tpu.memory_space<semaphore_mem>>) src(%dma_wait3A_54 : memref<10112x32xf32, #tpu.memory_space<vmem_shared>>) dst(%arg10 : memref<128x32xf32, #tpu.memory_space<vmem>>)
      %add3A_55 = arith.constant 3 : i32
      %add3A_56 = arith.addi %add3A_48, %add3A_55 : i32
      %lt3A_57 = arith.constant 80 : i32
      %lt3A_58 = arith.cmpi slt, %add3A_56, %lt3A_57 : i32
      %convert_element_type3A_59 = arith.extui %lt3A_58 : i1 to i32
      %cond3A_60 = arith.constant 0 : i32
      %cond3A_61 = arith.cmpi ne, %convert_element_type3A_59, %cond3A_60 : i32
      scf.if %cond3A_61 {
        %add3A_96 = arith.constant 3 : i32
        %add3A_97 = arith.addi %add3A_48, %add3A_96 : i32
        %dma_start3A_98 = arith.constant 0 : i32
        %dma_start3A_99 = tpu.memref_slice %arg7[%add3A_97, %dma_start3A_98] : memref<80x128xi32, #tpu.memory_space<vmem>> -> memref<1x128xi32, #tpu.memory_space<vmem>>
        %dma_start3A_100 = tpu.memref_squeeze %dma_start3A_99 : memref<1x128xi32, #tpu.memory_space<vmem>> -> memref<128xi32, #tpu.memory_space<vmem>>
        %dma_start3A_101 = arith.constant 0 : i32
        %dma_start3A_102 = arith.constant 0 : i32
        %dma_start3A_103 = tpu.memref_slice %arg14[%dma_start3A_101, %dma_start3A_102] : memref<10112x32xf32, #tpu.memory_space<vmem_shared>> -> memref<10112x32xf32, #tpu.memory_space<vmem_shared>>
        tpu.enqueue_indirect_dma source(%dma_start3A_103 : memref<10112x32xf32, #tpu.memory_space<vmem_shared>>) target(%arg9 : memref<128x32xf32, #tpu.memory_space<vmem>>) offsets(%dma_start3A_100 : memref<128xi32, #tpu.memory_space<vmem>>) semaphore(%arg15 : memref<!tpu.dma_semaphore, #tpu.memory_space<semaphore_mem>>)
      } else {
      }
      "tpu.region"() ({
        %run_scoped3A = tpu.sem_alloc : memref<!tpu.dma_semaphore, #tpu.memory_space<semaphore_mem>>
        %dma_start3A_96 = arith.constant 0 : i32
        %dma_start3A_97 = tpu.memref_slice %arg8[%add3A_48, %dma_start3A_96] : memref<80x128xi32, #tpu.memory_space<vmem>> -> memref<1x128xi32, #tpu.memory_space<vmem>>
        %dma_start3A_98 = tpu.memref_squeeze %dma_start3A_97 : memref<1x128xi32, #tpu.memory_space<vmem>> -> memref<128xi32, #tpu.memory_space<vmem>>
        %dma_start3A_99 = arith.constant 0 : i32
        %dma_start3A_100 = arith.constant 0 : i32
        %dma_start3A_101 = tpu.memref_slice %arg13[%dma_start3A_99, %dma_start3A_100] : memref<10112x32xf32, #tpu.memory_space<vmem_shared>> -> memref<10112x32xf32, #tpu.memory_space<vmem_shared>>
        tpu.enqueue_indirect_dma source(%arg10 : memref<128x32xf32, #tpu.memory_space<vmem>>) target(%dma_start3A_101 : memref<10112x32xf32, #tpu.memory_space<vmem_shared>>) offsets(%dma_start3A_98 : memref<128xi32, #tpu.memory_space<vmem>>) semaphore(%run_scoped3A : memref<!tpu.dma_semaphore, #tpu.memory_space<semaphore_mem>>) {add = true}
        %dma_wait3A_102 = arith.constant 0 : i32
        %dma_wait3A_103 = tpu.memref_slice %arg8[%add3A_48, %dma_wait3A_102] : memref<80x128xi32, #tpu.memory_space<vmem>> -> memref<1x128xi32, #tpu.memory_space<vmem>>
        %dma_wait3A_104 = tpu.memref_squeeze %dma_wait3A_103 : memref<1x128xi32, #tpu.memory_space<vmem>> -> memref<128xi32, #tpu.memory_space<vmem>>
        %dma_wait3A_105 = arith.constant 0 : i32
        %dma_wait3A_106 = arith.constant 0 : i32
        %dma_wait3A_107 = tpu.memref_slice %arg13[%dma_wait3A_105, %dma_wait3A_106] : memref<10112x32xf32, #tpu.memory_space<vmem_shared>> -> memref<10112x32xf32, #tpu.memory_space<vmem_shared>>
        tpu.wait_indirect_dma semaphore(%run_scoped3A : memref<!tpu.dma_semaphore, #tpu.memory_space<semaphore_mem>>) src(%arg10 : memref<128x32xf32, #tpu.memory_space<vmem>>) dst(%dma_wait3A_107 : memref<10112x32xf32, #tpu.memory_space<vmem_shared>>)
        tpu.yield
      }) : () -> ()
      %mul3A_62 = arith.constant 4 : i32
      %mul3A_63 = arith.muli %mul3A_62, %scan3A_31 : i32
      %add3A_64 = arith.constant 2 : i32
      %add3A_65 = arith.addi %mul3A_63, %add3A_64 : i32
      %dma_wait3A_66 = arith.constant 0 : i32
      %dma_wait3A_67 = tpu.memref_slice %arg7[%add3A_65, %dma_wait3A_66] : memref<80x128xi32, #tpu.memory_space<vmem>> -> memref<1x128xi32, #tpu.memory_space<vmem>>
      %dma_wait3A_68 = tpu.memref_squeeze %dma_wait3A_67 : memref<1x128xi32, #tpu.memory_space<vmem>> -> memref<128xi32, #tpu.memory_space<vmem>>
      %dma_wait3A_69 = arith.constant 0 : i32
      %dma_wait3A_70 = arith.constant 0 : i32
      %dma_wait3A_71 = tpu.memref_slice %arg14[%dma_wait3A_69, %dma_wait3A_70] : memref<10112x32xf32, #tpu.memory_space<vmem_shared>> -> memref<10112x32xf32, #tpu.memory_space<vmem_shared>>
      tpu.wait_indirect_dma semaphore(%arg17 : memref<!tpu.dma_semaphore, #tpu.memory_space<semaphore_mem>>) src(%dma_wait3A_71 : memref<10112x32xf32, #tpu.memory_space<vmem_shared>>) dst(%arg11 : memref<128x32xf32, #tpu.memory_space<vmem>>)
      %add3A_72 = arith.constant 3 : i32
      %add3A_73 = arith.addi %add3A_65, %add3A_72 : i32
      %lt3A_74 = arith.constant 80 : i32
      %lt3A_75 = arith.cmpi slt, %add3A_73, %lt3A_74 : i32
      %convert_element_type3A_76 = arith.extui %lt3A_75 : i1 to i32
      %cond3A_77 = arith.constant 0 : i32
      %cond3A_78 = arith.cmpi ne, %convert_element_type3A_76, %cond3A_77 : i32
      scf.if %cond3A_78 {
        %add3A_96 = arith.constant 3 : i32
        %add3A_97 = arith.addi %add3A_65, %add3A_96 : i32
        %dma_start3A_98 = arith.constant 0 : i32
        %dma_start3A_99 = tpu.memref_slice %arg7[%add3A_97, %dma_start3A_98] : memref<80x128xi32, #tpu.memory_space<vmem>> -> memref<1x128xi32, #tpu.memory_space<vmem>>
        %dma_start3A_100 = tpu.memref_squeeze %dma_start3A_99 : memref<1x128xi32, #tpu.memory_space<vmem>> -> memref<128xi32, #tpu.memory_space<vmem>>
        %dma_start3A_101 = arith.constant 0 : i32
        %dma_start3A_102 = arith.constant 0 : i32
        %dma_start3A_103 = tpu.memref_slice %arg14[%dma_start3A_101, %dma_start3A_102] : memref<10112x32xf32, #tpu.memory_space<vmem_shared>> -> memref<10112x32xf32, #tpu.memory_space<vmem_shared>>
        tpu.enqueue_indirect_dma source(%dma_start3A_103 : memref<10112x32xf32, #tpu.memory_space<vmem_shared>>) target(%arg10 : memref<128x32xf32, #tpu.memory_space<vmem>>) offsets(%dma_start3A_100 : memref<128xi32, #tpu.memory_space<vmem>>) semaphore(%arg16 : memref<!tpu.dma_semaphore, #tpu.memory_space<semaphore_mem>>)
      } else {
      }
      "tpu.region"() ({
        %run_scoped3A = tpu.sem_alloc : memref<!tpu.dma_semaphore, #tpu.memory_space<semaphore_mem>>
        %dma_start3A_96 = arith.constant 0 : i32
        %dma_start3A_97 = tpu.memref_slice %arg8[%add3A_65, %dma_start3A_96] : memref<80x128xi32, #tpu.memory_space<vmem>> -> memref<1x128xi32, #tpu.memory_space<vmem>>
        %dma_start3A_98 = tpu.memref_squeeze %dma_start3A_97 : memref<1x128xi32, #tpu.memory_space<vmem>> -> memref<128xi32, #tpu.memory_space<vmem>>
        %dma_start3A_99 = arith.constant 0 : i32
        %dma_start3A_100 = arith.constant 0 : i32
        %dma_start3A_101 = tpu.memref_slice %arg13[%dma_start3A_99, %dma_start3A_100] : memref<10112x32xf32, #tpu.memory_space<vmem_shared>> -> memref<10112x32xf32, #tpu.memory_space<vmem_shared>>
        tpu.enqueue_indirect_dma source(%arg11 : memref<128x32xf32, #tpu.memory_space<vmem>>) target(%dma_start3A_101 : memref<10112x32xf32, #tpu.memory_space<vmem_shared>>) offsets(%dma_start3A_98 : memref<128xi32, #tpu.memory_space<vmem>>) semaphore(%run_scoped3A : memref<!tpu.dma_semaphore, #tpu.memory_space<semaphore_mem>>) {add = true}
        %dma_wait3A_102 = arith.constant 0 : i32
        %dma_wait3A_103 = tpu.memref_slice %arg8[%add3A_65, %dma_wait3A_102] : memref<80x128xi32, #tpu.memory_space<vmem>> -> memref<1x128xi32, #tpu.memory_space<vmem>>
        %dma_wait3A_104 = tpu.memref_squeeze %dma_wait3A_103 : memref<1x128xi32, #tpu.memory_space<vmem>> -> memref<128xi32, #tpu.memory_space<vmem>>
        %dma_wait3A_105 = arith.constant 0 : i32
        %dma_wait3A_106 = arith.constant 0 : i32
        %dma_wait3A_107 = tpu.memref_slice %arg13[%dma_wait3A_105, %dma_wait3A_106] : memref<10112x32xf32, #tpu.memory_space<vmem_shared>> -> memref<10112x32xf32, #tpu.memory_space<vmem_shared>>
        tpu.wait_indirect_dma semaphore(%run_scoped3A : memref<!tpu.dma_semaphore, #tpu.memory_space<semaphore_mem>>) src(%arg11 : memref<128x32xf32, #tpu.memory_space<vmem>>) dst(%dma_wait3A_107 : memref<10112x32xf32, #tpu.memory_space<vmem_shared>>)
        tpu.yield
      }) : () -> ()
      %mul3A_79 = arith.constant 4 : i32
      %mul3A_80 = arith.muli %mul3A_79, %scan3A_31 : i32
      %add3A_81 = arith.constant 3 : i32
      %add3A_82 = arith.addi %mul3A_80, %add3A_81 : i32
      %dma_wait3A_83 = arith.constant 0 : i32
      %dma_wait3A_84 = tpu.memref_slice %arg7[%add3A_82, %dma_wait3A_83] : memref<80x128xi32, #tpu.memory_space<vmem>> -> memref<1x128xi32, #tpu.memory_space<vmem>>
      %dma_wait3A_85 = tpu.memref_squeeze %dma_wait3A_84 : memref<1x128xi32, #tpu.memory_space<vmem>> -> memref<128xi32, #tpu.memory_space<vmem>>
      %dma_wait3A_86 = arith.constant 0 : i32
      %dma_wait3A_87 = arith.constant 0 : i32
      %dma_wait3A_88 = tpu.memref_slice %arg14[%dma_wait3A_86, %dma_wait3A_87] : memref<10112x32xf32, #tpu.memory_space<vmem_shared>> -> memref<10112x32xf32, #tpu.memory_space<vmem_shared>>
      tpu.wait_indirect_dma semaphore(%arg18 : memref<!tpu.dma_semaphore, #tpu.memory_space<semaphore_mem>>) src(%dma_wait3A_88 : memref<10112x32xf32, #tpu.memory_space<vmem_shared>>) dst(%arg12 : memref<128x32xf32, #tpu.memory_space<vmem>>)
      %add3A_89 = arith.constant 3 : i32
      %add3A_90 = arith.addi %add3A_82, %add3A_89 : i32
      %lt3A_91 = arith.constant 80 : i32
      %lt3A_92 = arith.cmpi slt, %add3A_90, %lt3A_91 : i32
      %convert_element_type3A_93 = arith.extui %lt3A_92 : i1 to i32
      %cond3A_94 = arith.constant 0 : i32
      %cond3A_95 = arith.cmpi ne, %convert_element_type3A_93, %cond3A_94 : i32
      scf.if %cond3A_95 {
        %add3A_96 = arith.constant 3 : i32
        %add3A_97 = arith.addi %add3A_82, %add3A_96 : i32
        %dma_start3A_98 = arith.constant 0 : i32
        %dma_start3A_99 = tpu.memref_slice %arg7[%add3A_97, %dma_start3A_98] : memref<80x128xi32, #tpu.memory_space<vmem>> -> memref<1x128xi32, #tpu.memory_space<vmem>>
        %dma_start3A_100 = tpu.memref_squeeze %dma_start3A_99 : memref<1x128xi32, #tpu.memory_space<vmem>> -> memref<128xi32, #tpu.memory_space<vmem>>
        %dma_start3A_101 = arith.constant 0 : i32
        %dma_start3A_102 = arith.constant 0 : i32
        %dma_start3A_103 = tpu.memref_slice %arg14[%dma_start3A_101, %dma_start3A_102] : memref<10112x32xf32, #tpu.memory_space<vmem_shared>> -> memref<10112x32xf32, #tpu.memory_space<vmem_shared>>
        tpu.enqueue_indirect_dma source(%dma_start3A_103 : memref<10112x32xf32, #tpu.memory_space<vmem_shared>>) target(%arg11 : memref<128x32xf32, #tpu.memory_space<vmem>>) offsets(%dma_start3A_100 : memref<128xi32, #tpu.memory_space<vmem>>) semaphore(%arg17 : memref<!tpu.dma_semaphore, #tpu.memory_space<semaphore_mem>>)
      } else {
      }
      "tpu.region"() ({
        %run_scoped3A = tpu.sem_alloc : memref<!tpu.dma_semaphore, #tpu.memory_space<semaphore_mem>>
        %dma_start3A_96 = arith.constant 0 : i32
        %dma_start3A_97 = tpu.memref_slice %arg8[%add3A_82, %dma_start3A_96] : memref<80x128xi32, #tpu.memory_space<vmem>> -> memref<1x128xi32, #tpu.memory_space<vmem>>
        %dma_start3A_98 = tpu.memref_squeeze %dma_start3A_97 : memref<1x128xi32, #tpu.memory_space<vmem>> -> memref<128xi32, #tpu.memory_space<vmem>>
        %dma_start3A_99 = arith.constant 0 : i32
        %dma_start3A_100 = arith.constant 0 : i32
        %dma_start3A_101 = tpu.memref_slice %arg13[%dma_start3A_99, %dma_start3A_100] : memref<10112x32xf32, #tpu.memory_space<vmem_shared>> -> memref<10112x32xf32, #tpu.memory_space<vmem_shared>>
        tpu.enqueue_indirect_dma source(%arg12 : memref<128x32xf32, #tpu.memory_space<vmem>>) target(%dma_start3A_101 : memref<10112x32xf32, #tpu.memory_space<vmem_shared>>) offsets(%dma_start3A_98 : memref<128xi32, #tpu.memory_space<vmem>>) semaphore(%run_scoped3A : memref<!tpu.dma_semaphore, #tpu.memory_space<semaphore_mem>>) {add = true}
        %dma_wait3A_102 = arith.constant 0 : i32
        %dma_wait3A_103 = tpu.memref_slice %arg8[%add3A_82, %dma_wait3A_102] : memref<80x128xi32, #tpu.memory_space<vmem>> -> memref<1x128xi32, #tpu.memory_space<vmem>>
        %dma_wait3A_104 = tpu.memref_squeeze %dma_wait3A_103 : memref<1x128xi32, #tpu.memory_space<vmem>> -> memref<128xi32, #tpu.memory_space<vmem>>
        %dma_wait3A_105 = arith.constant 0 : i32
        %dma_wait3A_106 = arith.constant 0 : i32
        %dma_wait3A_107 = tpu.memref_slice %arg13[%dma_wait3A_105, %dma_wait3A_106] : memref<10112x32xf32, #tpu.memory_space<vmem_shared>> -> memref<10112x32xf32, #tpu.memory_space<vmem_shared>>
        tpu.wait_indirect_dma semaphore(%run_scoped3A : memref<!tpu.dma_semaphore, #tpu.memory_space<semaphore_mem>>) src(%arg12 : memref<128x32xf32, #tpu.memory_space<vmem>>) dst(%dma_wait3A_107 : memref<10112x32xf32, #tpu.memory_space<vmem_shared>>)
        tpu.yield
      }) : () -> ()
    }
    %scan3A_29 = arith.constant 20 : i32
    %barrier3A_30 = arith.constant 0 : index
    tpu.barrier barrier_id(%barrier3A_30)
    "tpu.region"() ({
      %run_scoped3A = tpu.sem_alloc : memref<!tpu.dma_semaphore, #tpu.memory_space<semaphore_mem>>
      %dma_start3A_31 = arith.constant 0 : i32
      %dma_start3A_32 = arith.constant 0 : i32
      %dma_start3A_33 = tpu.memref_slice %arg6[%arg0, %dma_start3A_31, %dma_start3A_32] : memref<2x10112x32xf32, #tpu.memory_space<hbm>> -> memref<1x10112x32xf32, #tpu.memory_space<hbm>>
      %dma_start3A_34 = tpu.memref_squeeze %dma_start3A_33 : memref<1x10112x32xf32, #tpu.memory_space<hbm>> -> memref<10112x32xf32, #tpu.memory_space<hbm>>
      %dma_start3A_35 = arith.constant 0 : i32
      %dma_start3A_36 = tpu.memref_slice %dma_start3A_34[%mul3A_2, %dma_start3A_35] : memref<10112x32xf32, #tpu.memory_space<hbm>> -> memref<632x32xf32, #tpu.memory_space<hbm>>
      %dma_start3A_37 = arith.constant 0 : i32
      %dma_start3A_38 = tpu.memref_slice %arg13[%mul3A_2, %dma_start3A_37] : memref<10112x32xf32, #tpu.memory_space<vmem_shared>> -> memref<632x32xf32, #tpu.memory_space<vmem_shared>>
      tpu.enqueue_dma source(%dma_start3A_38 : memref<632x32xf32, #tpu.memory_space<vmem_shared>>) target(%dma_start3A_36 : memref<632x32xf32, #tpu.memory_space<hbm>>) target_semaphore(%run_scoped3A : memref<!tpu.dma_semaphore, #tpu.memory_space<semaphore_mem>>)
      %dma_wait3A = arith.constant 0 : i32
      %dma_wait3A_39 = arith.constant 0 : i32
      %dma_wait3A_40 = tpu.memref_slice %arg6[%arg0, %dma_wait3A, %dma_wait3A_39] : memref<2x10112x32xf32, #tpu.memory_space<hbm>> -> memref<1x10112x32xf32, #tpu.memory_space<hbm>>
      %dma_wait3A_41 = tpu.memref_squeeze %dma_wait3A_40 : memref<1x10112x32xf32, #tpu.memory_space<hbm>> -> memref<10112x32xf32, #tpu.memory_space<hbm>>
      %dma_wait3A_42 = arith.constant 0 : i32
      %dma_wait3A_43 = tpu.memref_slice %dma_wait3A_41[%mul3A_2, %dma_wait3A_42] : memref<10112x32xf32, #tpu.memory_space<hbm>> -> memref<632x32xf32, #tpu.memory_space<hbm>>
      %dma_wait3A_44 = arith.constant 0 : i32
      %dma_wait3A_45 = tpu.memref_slice %arg13[%mul3A_2, %dma_wait3A_44] : memref<10112x32xf32, #tpu.memory_space<vmem_shared>> -> memref<632x32xf32, #tpu.memory_space<vmem_shared>>
      tpu.wait_dma2 semaphore(%run_scoped3A : memref<!tpu.dma_semaphore, #tpu.memory_space<semaphore_mem>>) src(%dma_wait3A_45 : memref<632x32xf32, #tpu.memory_space<vmem_shared>>) dst(%dma_wait3A_43 : memref<632x32xf32, #tpu.memory_space<hbm>>)
      tpu.yield
    }) : () -> ()
    return
  }
}

module attributes {stable_mosaic.version = 14 : i64} {
  func.func @_tc1_body(%arg0: i32, %arg1: memref<1264x128xf32, #tpu.memory_space<vmem>>, %arg2: memref<128x32xf32, #tpu.memory_space<vmem>>, %arg3: memref<128x32xf32, #tpu.memory_space<vmem>>, %arg4: memref<1x32xf32, #tpu.memory_space<vmem>>, %arg5: memref<1x32xf32, #tpu.memory_space<vmem>>, %arg6: memref<1264x32xf32, #tpu.memory_space<vmem>>, %arg7: memref<1264x32xf32, #tpu.memory_space<vmem>>) attributes {dimension_semantics = [#tpu.dimension_semantics<arbitrary>], iteration_bounds = array<i64: 8>, scalar_prefetch = 0 : i64, scratch_operands = 0 : i64, tpu.core_type = #tpu.core_type<tc>, window_params = [{transform_indices = @transform_0, window_bounds = array<i64: 1264, 128>}, {pipeline_mode = #tpu.pipeline_mode<synchronous>, transform_indices = @transform_1, window_bounds = array<i64: 128, 32>}, {pipeline_mode = #tpu.pipeline_mode<synchronous>, transform_indices = @transform_2, window_bounds = array<i64: 128, 32>}, {pipeline_mode = #tpu.pipeline_mode<synchronous>, transform_indices = @transform_3, window_bounds = array<i64: 1, 32>}, {pipeline_mode = #tpu.pipeline_mode<synchronous>, transform_indices = @transform_4, window_bounds = array<i64: 1, 32>}, {transform_indices = @transform_5, window_bounds = array<i64: 1264, 32>}, {transform_indices = @transform_6, window_bounds = array<i64: 1264, 32>}]} {
    %get3A = arith.constant 0 : index
    %get3A_0 = arith.constant 0 : index
    %get3A_1 = vector.load %arg1[%get3A, %get3A_0] : memref<1264x128xf32, #tpu.memory_space<vmem>>, vector<1264x128xf32>
    %get3A_2 = arith.constant 0 : index
    %get3A_3 = arith.constant 0 : index
    %get3A_4 = vector.load %arg2[%get3A_2, %get3A_3] : memref<128x32xf32, #tpu.memory_space<vmem>>, vector<128x32xf32>
    %dot_general3A = arith.constant dense<0.000000e+00> : vector<1264x32xf32>
    %dot_general3A_5 = tpu.matmul %get3A_1, %get3A_4, %dot_general3A {dimension_numbers = #tpu.dot_dimension_numbers<[1], [0], [0], [1], [0, 0, 1, 1], [], []>, transpose_lhs_hint = false} : vector<1264x128xf32>, vector<128x32xf32>, vector<1264x32xf32> -> vector<1264x32xf32>
    %get3A_6 = arith.constant 0 : index
    %get3A_7 = arith.constant 0 : index
    %get3A_8 = vector.load %arg4[%get3A_6, %get3A_7] : memref<1x32xf32, #tpu.memory_space<vmem>>, vector<1x32xf32>
    %add3A = vector.broadcast %get3A_8 : vector<1x32xf32> to vector<1264x32xf32>
    %add3A_9 = arith.addf %dot_general3A_5, %add3A : vector<1264x32xf32>
    %max3A = arith.constant 0.000000e+00 : f32
    %max3A_10 = vector.broadcast %max3A : f32 to vector<1264x32xf32>
    %max3A_11 = arith.maximumf %add3A_9, %max3A_10 : vector<1264x32xf32>
    %swap3A = arith.constant 0 : index
    %swap3A_12 = arith.constant 0 : index
    %swap3A_13 = vector.load %arg6[%swap3A, %swap3A_12] : memref<1264x32xf32, #tpu.memory_space<vmem>>, vector<1264x32xf32>
    tpu.vector_store %arg6[%swap3A, %swap3A_12], %max3A_11 {strides = array<i32>} : memref<1264x32xf32, #tpu.memory_space<vmem>>, vector<1264x32xf32>,
    %get3A_14 = arith.constant 0 : index
    %get3A_15 = arith.constant 0 : index
    %get3A_16 = vector.load %arg1[%get3A_14, %get3A_15] : memref<1264x128xf32, #tpu.memory_space<vmem>>, vector<1264x128xf32>
    %get3A_17 = arith.constant 0 : index
    %get3A_18 = arith.constant 0 : index
    %get3A_19 = vector.load %arg3[%get3A_17, %get3A_18] : memref<128x32xf32, #tpu.memory_space<vmem>>, vector<128x32xf32>
    %dot_general3A_20 = arith.constant dense<0.000000e+00> : vector<1264x32xf32>
    %dot_general3A_21 = tpu.matmul %get3A_16, %get3A_19, %dot_general3A_20 {dimension_numbers = #tpu.dot_dimension_numbers<[1], [0], [0], [1], [0, 0, 1, 1], [], []>, transpose_lhs_hint = false} : vector<1264x128xf32>, vector<128x32xf32>, vector<1264x32xf32> -> vector<1264x32xf32>
    %get3A_22 = arith.constant 0 : index
    %get3A_23 = arith.constant 0 : index
    %get3A_24 = vector.load %arg5[%get3A_22, %get3A_23] : memref<1x32xf32, #tpu.memory_space<vmem>>, vector<1x32xf32>
    %add3A_25 = vector.broadcast %get3A_24 : vector<1x32xf32> to vector<1264x32xf32>
    %add3A_26 = arith.addf %dot_general3A_21, %add3A_25 : vector<1264x32xf32>
    %max3A_27 = arith.constant 0.000000e+00 : f32
    %max3A_28 = vector.broadcast %max3A_27 : f32 to vector<1264x32xf32>
    %max3A_29 = arith.maximumf %add3A_26, %max3A_28 : vector<1264x32xf32>
    %swap3A_30 = arith.constant 0 : index
    %swap3A_31 = arith.constant 0 : index
    %swap3A_32 = vector.load %arg7[%swap3A_30, %swap3A_31] : memref<1264x32xf32, #tpu.memory_space<vmem>>, vector<1264x32xf32>
    tpu.vector_store %arg7[%swap3A_30, %swap3A_31], %max3A_29 {strides = array<i32>} : memref<1264x32xf32, #tpu.memory_space<vmem>>, vector<1264x32xf32>,
    return
  }
  func.func @transform_0(%arg0: i32) -> (i32, i32) {
    %c0_i32 = arith.constant 0 : i32
    %c0_i32_0 = arith.constant 0 : i32
    return %arg0, %c0_i32 : i32, i32
  }
  func.func @transform_1(%arg0: i32) -> (i32, i32) {
    %c0_i32 = arith.constant 0 : i32
    %c0_i32_0 = arith.constant 0 : i32
    %c0_i32_1 = arith.constant 0 : i32
    return %c0_i32, %c0_i32_0 : i32, i32
  }
  func.func @transform_2(%arg0: i32) -> (i32, i32) {
    %c0_i32 = arith.constant 0 : i32
    %c0_i32_0 = arith.constant 0 : i32
    %c0_i32_1 = arith.constant 0 : i32
    return %c0_i32, %c0_i32_0 : i32, i32
  }
  func.func @transform_3(%arg0: i32) -> (i32, i32) {
    %c0_i32 = arith.constant 0 : i32
    %c0_i32_0 = arith.constant 0 : i32
    %c0_i32_1 = arith.constant 0 : i32
    return %c0_i32, %c0_i32_0 : i32, i32
  }
  func.func @transform_4(%arg0: i32) -> (i32, i32) {
    %c0_i32 = arith.constant 0 : i32
    %c0_i32_0 = arith.constant 0 : i32
    %c0_i32_1 = arith.constant 0 : i32
    return %c0_i32, %c0_i32_0 : i32, i32
  }
  func.func @transform_5(%arg0: i32) -> (i32, i32) {
    %c0_i32 = arith.constant 0 : i32
    %c0_i32_0 = arith.constant 0 : i32
    return %arg0, %c0_i32 : i32, i32
  }
  func.func @transform_6(%arg0: i32) -> (i32, i32) {
    %c0_i32 = arith.constant 0 : i32
    %c0_i32_0 = arith.constant 0 : i32
    return %arg0, %c0_i32 : i32, i32
  }
}

module attributes {stable_mosaic.version = 14 : i64} {
  func.func @_tc2_body(%arg0: i32, %arg1: memref<1x2000x32xf32, #tpu.memory_space<vmem>>, %arg2: memref<1x2000x32xf32, #tpu.memory_space<vmem>>, %arg3: memref<1x2000x8xf32, #tpu.memory_space<vmem>>, %arg4: memref<1x2000x8xf32, #tpu.memory_space<vmem>>, %arg5: memref<2000x128xf32, #tpu.memory_space<vmem>>, %arg6: memref<32x64xf32, #tpu.memory_space<vmem>>, %arg7: memref<32x64xf32, #tpu.memory_space<vmem>>, %arg8: memref<128x64xf32, #tpu.memory_space<vmem>>, %arg9: memref<1x64xf32, #tpu.memory_space<vmem>>, %arg10: memref<64x32xf32, #tpu.memory_space<vmem>>, %arg11: memref<1x32xf32, #tpu.memory_space<vmem>>, %arg12: memref<2000x64xf32, #tpu.memory_space<vmem>>, %arg13: memref<2000x32xf32, #tpu.memory_space<vmem>>, %arg14: memref<2000x1xf32, #tpu.memory_space<vmem>>) attributes {dimension_semantics = [#tpu.dimension_semantics<arbitrary>], iteration_bounds = array<i64: 5>, scalar_prefetch = 0 : i64, scratch_operands = 0 : i64, tpu.core_type = #tpu.core_type<tc>, window_params = [{transform_indices = @transform_0, window_bounds = array<i64: 1, 2000, 32>}, {transform_indices = @transform_1, window_bounds = array<i64: 1, 2000, 32>}, {transform_indices = @transform_2, window_bounds = array<i64: 1, 2000, 8>}, {transform_indices = @transform_3, window_bounds = array<i64: 1, 2000, 8>}, {transform_indices = @transform_4, window_bounds = array<i64: 2000, 128>}, {pipeline_mode = #tpu.pipeline_mode<synchronous>, transform_indices = @transform_5, window_bounds = array<i64: 32, 64>}, {pipeline_mode = #tpu.pipeline_mode<synchronous>, transform_indices = @transform_6, window_bounds = array<i64: 32, 64>}, {pipeline_mode = #tpu.pipeline_mode<synchronous>, transform_indices = @transform_7, window_bounds = array<i64: 128, 64>}, {pipeline_mode = #tpu.pipeline_mode<synchronous>, transform_indices = @transform_8, window_bounds = array<i64: 1, 64>}, {pipeline_mode = #tpu.pipeline_mode<synchronous>, transform_indices = @transform_9, window_bounds = array<i64: 64, 32>}, {pipeline_mode = #tpu.pipeline_mode<synchronous>, transform_indices = @transform_10, window_bounds = array<i64: 1, 32>}, {transform_indices = @transform_11, window_bounds = array<i64: 2000, 64>}, {transform_indices = @transform_12, window_bounds = array<i64: 2000, 32>}, {transform_indices = @transform_13, window_bounds = array<i64: 2000, 1>}]} {
    %get3A = arith.constant 0 : index
    %get3A_0 = arith.constant 0 : index
    %get3A_1 = arith.constant 0 : index
    %get3A_2 = vector.load %arg3[%get3A, %get3A_0, %get3A_1] : memref<1x2000x8xf32, #tpu.memory_space<vmem>>, vector<1x2000x1xf32>
    %get3A_3 = vector.shape_cast %get3A_2 : vector<1x2000x1xf32> to vector<2000x1xf32>
    %get3A_4 = arith.constant 0 : index
    %get3A_5 = arith.constant 0 : index
    %get3A_6 = arith.constant 0 : index
    %get3A_7 = vector.load %arg4[%get3A_4, %get3A_5, %get3A_6] : memref<1x2000x8xf32, #tpu.memory_space<vmem>>, vector<1x2000x1xf32>
    %get3A_8 = vector.shape_cast %get3A_7 : vector<1x2000x1xf32> to vector<2000x1xf32>
    %add3A = arith.addf %get3A_3, %get3A_8 : vector<2000x1xf32>
    %max3A = arith.constant 1.000000e+00 : f32
    %max3A_9 = vector.broadcast %max3A : f32 to vector<2000x1xf32>
    %max3A_10 = arith.maximumf %add3A, %max3A_9 : vector<2000x1xf32>
    %div3A = arith.constant 1.000000e+00 : f32
    %div3A_11 = vector.broadcast %div3A : f32 to vector<2000x1xf32>
    %div3A_12 = arith.divf %div3A_11, %max3A_10 : vector<2000x1xf32>
    %get3A_13 = arith.constant 0 : index
    %get3A_14 = arith.constant 0 : index
    %get3A_15 = arith.constant 0 : index
    %get3A_16 = vector.load %arg1[%get3A_13, %get3A_14, %get3A_15] : memref<1x2000x32xf32, #tpu.memory_space<vmem>>, vector<1x2000x32xf32>
    %get3A_17 = vector.shape_cast %get3A_16 : vector<1x2000x32xf32> to vector<2000x32xf32>
    %mul3A = vector.broadcast %div3A_12 : vector<2000x1xf32> to vector<2000x32xf32>
    %mul3A_18 = arith.mulf %get3A_17, %mul3A : vector<2000x32xf32>
    %get3A_19 = arith.constant 0 : index
    %get3A_20 = arith.constant 0 : index
    %get3A_21 = vector.load %arg6[%get3A_19, %get3A_20] : memref<32x64xf32, #tpu.memory_space<vmem>>, vector<32x64xf32>
    %dot_general3A = arith.constant dense<0.000000e+00> : vector<2000x64xf32>
    %dot_general3A_22 = tpu.matmul %mul3A_18, %get3A_21, %dot_general3A {dimension_numbers = #tpu.dot_dimension_numbers<[1], [0], [0], [1], [0, 0, 1, 1], [], []>, transpose_lhs_hint = false} : vector<2000x32xf32>, vector<32x64xf32>, vector<2000x64xf32> -> vector<2000x64xf32>
    %get3A_23 = arith.constant 0 : index
    %get3A_24 = arith.constant 0 : index
    %get3A_25 = arith.constant 0 : index
    %get3A_26 = vector.load %arg2[%get3A_23, %get3A_24, %get3A_25] : memref<1x2000x32xf32, #tpu.memory_space<vmem>>, vector<1x2000x32xf32>
    %get3A_27 = vector.shape_cast %get3A_26 : vector<1x2000x32xf32> to vector<2000x32xf32>
    %mul3A_28 = vector.broadcast %div3A_12 : vector<2000x1xf32> to vector<2000x32xf32>
    %mul3A_29 = arith.mulf %get3A_27, %mul3A_28 : vector<2000x32xf32>
    %get3A_30 = arith.constant 0 : index
    %get3A_31 = arith.constant 0 : index
    %get3A_32 = vector.load %arg7[%get3A_30, %get3A_31] : memref<32x64xf32, #tpu.memory_space<vmem>>, vector<32x64xf32>
    %dot_general3A_33 = arith.constant dense<0.000000e+00> : vector<2000x64xf32>
    %dot_general3A_34 = tpu.matmul %mul3A_29, %get3A_32, %dot_general3A_33 {dimension_numbers = #tpu.dot_dimension_numbers<[1], [0], [0], [1], [0, 0, 1, 1], [], []>, transpose_lhs_hint = false} : vector<2000x32xf32>, vector<32x64xf32>, vector<2000x64xf32> -> vector<2000x64xf32>
    %add3A_35 = arith.addf %dot_general3A_22, %dot_general3A_34 : vector<2000x64xf32>
    %get3A_36 = arith.constant 0 : index
    %get3A_37 = arith.constant 0 : index
    %get3A_38 = vector.load %arg5[%get3A_36, %get3A_37] : memref<2000x128xf32, #tpu.memory_space<vmem>>, vector<2000x128xf32>
    %get3A_39 = arith.constant 0 : index
    %get3A_40 = arith.constant 0 : index
    %get3A_41 = vector.load %arg8[%get3A_39, %get3A_40] : memref<128x64xf32, #tpu.memory_space<vmem>>, vector<128x64xf32>
    %dot_general3A_42 = arith.constant dense<0.000000e+00> : vector<2000x64xf32>
    %dot_general3A_43 = tpu.matmul %get3A_38, %get3A_41, %dot_general3A_42 {dimension_numbers = #tpu.dot_dimension_numbers<[1], [0], [0], [1], [0, 0, 1, 1], [], []>, transpose_lhs_hint = false} : vector<2000x128xf32>, vector<128x64xf32>, vector<2000x64xf32> -> vector<2000x64xf32>
    %add3A_44 = arith.addf %add3A_35, %dot_general3A_43 : vector<2000x64xf32>
    %get3A_45 = arith.constant 0 : index
    %get3A_46 = arith.constant 0 : index
    %get3A_47 = vector.load %arg9[%get3A_45, %get3A_46] : memref<1x64xf32, #tpu.memory_space<vmem>>, vector<1x64xf32>
    %add3A_48 = vector.broadcast %get3A_47 : vector<1x64xf32> to vector<2000x64xf32>
    %add3A_49 = arith.addf %add3A_44, %add3A_48 : vector<2000x64xf32>
    %max3A_50 = arith.constant 0.000000e+00 : f32
    %max3A_51 = vector.broadcast %max3A_50 : f32 to vector<2000x64xf32>
    %max3A_52 = arith.maximumf %add3A_49, %max3A_51 : vector<2000x64xf32>
    %swap3A = arith.constant 0 : index
    %swap3A_53 = arith.constant 0 : index
    %swap3A_54 = vector.load %arg12[%swap3A, %swap3A_53] : memref<2000x64xf32, #tpu.memory_space<vmem>>, vector<2000x64xf32>
    tpu.vector_store %arg12[%swap3A, %swap3A_53], %max3A_52 {strides = array<i32>} : memref<2000x64xf32, #tpu.memory_space<vmem>>, vector<2000x64xf32>,
    %get3A_55 = arith.constant 0 : index
    %get3A_56 = arith.constant 0 : index
    %get3A_57 = vector.load %arg10[%get3A_55, %get3A_56] : memref<64x32xf32, #tpu.memory_space<vmem>>, vector<64x32xf32>
    %dot_general3A_58 = arith.constant dense<0.000000e+00> : vector<2000x32xf32>
    %dot_general3A_59 = tpu.matmul %max3A_52, %get3A_57, %dot_general3A_58 {dimension_numbers = #tpu.dot_dimension_numbers<[1], [0], [0], [1], [0, 0, 1, 1], [], []>, transpose_lhs_hint = false} : vector<2000x64xf32>, vector<64x32xf32>, vector<2000x32xf32> -> vector<2000x32xf32>
    %get3A_60 = arith.constant 0 : index
    %get3A_61 = arith.constant 0 : index
    %get3A_62 = vector.load %arg11[%get3A_60, %get3A_61] : memref<1x32xf32, #tpu.memory_space<vmem>>, vector<1x32xf32>
    %add3A_63 = vector.broadcast %get3A_62 : vector<1x32xf32> to vector<2000x32xf32>
    %add3A_64 = arith.addf %dot_general3A_59, %add3A_63 : vector<2000x32xf32>
    %max3A_65 = arith.constant 0.000000e+00 : f32
    %max3A_66 = vector.broadcast %max3A_65 : f32 to vector<2000x32xf32>
    %max3A_67 = arith.maximumf %add3A_64, %max3A_66 : vector<2000x32xf32>
    %swap3A_68 = arith.constant 0 : index
    %swap3A_69 = arith.constant 0 : index
    %swap3A_70 = vector.load %arg13[%swap3A_68, %swap3A_69] : memref<2000x32xf32, #tpu.memory_space<vmem>>, vector<2000x32xf32>
    tpu.vector_store %arg13[%swap3A_68, %swap3A_69], %max3A_67 {strides = array<i32>} : memref<2000x32xf32, #tpu.memory_space<vmem>>, vector<2000x32xf32>,
    %swap3A_71 = arith.constant 0 : index
    %swap3A_72 = arith.constant 0 : index
    %swap3A_73 = vector.load %arg14[%swap3A_71, %swap3A_72] : memref<2000x1xf32, #tpu.memory_space<vmem>>, vector<2000x1xf32>
    tpu.vector_store %arg14[%swap3A_71, %swap3A_72], %div3A_12 {strides = array<i32>} : memref<2000x1xf32, #tpu.memory_space<vmem>>, vector<2000x1xf32>,
    return
  }
  func.func @transform_0(%arg0: i32) -> (i32, i32, i32) {
    %c0_i32 = arith.constant 0 : i32
    %c0_i32_0 = arith.constant 0 : i32
    %c0_i32_1 = arith.constant 0 : i32
    return %c0_i32, %arg0, %c0_i32_0 : i32, i32, i32
  }
  func.func @transform_1(%arg0: i32) -> (i32, i32, i32) {
    %c1_i32 = arith.constant 1 : i32
    %c0_i32 = arith.constant 0 : i32
    %c0_i32_0 = arith.constant 0 : i32
    return %c1_i32, %arg0, %c0_i32 : i32, i32, i32
  }
  func.func @transform_2(%arg0: i32) -> (i32, i32, i32) {
    %c0_i32 = arith.constant 0 : i32
    %c0_i32_0 = arith.constant 0 : i32
    %c0_i32_1 = arith.constant 0 : i32
    return %c0_i32, %arg0, %c0_i32_0 : i32, i32, i32
  }
  func.func @transform_3(%arg0: i32) -> (i32, i32, i32) {
    %c1_i32 = arith.constant 1 : i32
    %c0_i32 = arith.constant 0 : i32
    %c0_i32_0 = arith.constant 0 : i32
    return %c1_i32, %arg0, %c0_i32 : i32, i32, i32
  }
  func.func @transform_4(%arg0: i32) -> (i32, i32) {
    %c0_i32 = arith.constant 0 : i32
    %c0_i32_0 = arith.constant 0 : i32
    return %arg0, %c0_i32 : i32, i32
  }
  func.func @transform_5(%arg0: i32) -> (i32, i32) {
    %c0_i32 = arith.constant 0 : i32
    %c0_i32_0 = arith.constant 0 : i32
    %c0_i32_1 = arith.constant 0 : i32
    return %c0_i32, %c0_i32_0 : i32, i32
  }
  func.func @transform_6(%arg0: i32) -> (i32, i32) {
    %c0_i32 = arith.constant 0 : i32
    %c0_i32_0 = arith.constant 0 : i32
    %c0_i32_1 = arith.constant 0 : i32
    return %c0_i32, %c0_i32_0 : i32, i32
  }
  func.func @transform_7(%arg0: i32) -> (i32, i32) {
    %c0_i32 = arith.constant 0 : i32
    %c0_i32_0 = arith.constant 0 : i32
    %c0_i32_1 = arith.constant 0 : i32
    return %c0_i32, %c0_i32_0 : i32, i32
  }
  func.func @transform_8(%arg0: i32) -> (i32, i32) {
    %c0_i32 = arith.constant 0 : i32
    %c0_i32_0 = arith.constant 0 : i32
    %c0_i32_1 = arith.constant 0 : i32
    return %c0_i32, %c0_i32_0 : i32, i32
  }
  func.func @transform_9(%arg0: i32) -> (i32, i32) {
    %c0_i32 = arith.constant 0 : i32
    %c0_i32_0 = arith.constant 0 : i32
    %c0_i32_1 = arith.constant 0 : i32
    return %c0_i32, %c0_i32_0 : i32, i32
  }
  func.func @transform_10(%arg0: i32) -> (i32, i32) {
    %c0_i32 = arith.constant 0 : i32
    %c0_i32_0 = arith.constant 0 : i32
    %c0_i32_1 = arith.constant 0 : i32
    return %c0_i32, %c0_i32_0 : i32, i32
  }
  func.func @transform_11(%arg0: i32) -> (i32, i32) {
    %c0_i32 = arith.constant 0 : i32
    %c0_i32_0 = arith.constant 0 : i32
    return %arg0, %c0_i32 : i32, i32
  }
  func.func @transform_12(%arg0: i32) -> (i32, i32) {
    %c0_i32 = arith.constant 0 : i32
    %c0_i32_0 = arith.constant 0 : i32
    return %arg0, %c0_i32 : i32, i32
  }
  func.func @transform_13(%arg0: i32) -> (i32, i32) {
    %c0_i32 = arith.constant 0 : i32
    %c0_i32_0 = arith.constant 0 : i32
    return %arg0, %c0_i32 : i32, i32
  }
}

module attributes {stable_mosaic.version = 14 : i64} {
  func.func @_tc3_body(%arg0: i32, %arg1: memref<1x2000x32xf32, #tpu.memory_space<vmem>>, %arg2: memref<1x2000x32xf32, #tpu.memory_space<vmem>>, %arg3: memref<2000x1xf32, #tpu.memory_space<vmem>>, %arg4: memref<2000x64xf32, #tpu.memory_space<vmem>>, %arg5: memref<32x32xf32, #tpu.memory_space<vmem>>, %arg6: memref<64x32xf32, #tpu.memory_space<vmem>>, %arg7: memref<1x32xf32, #tpu.memory_space<vmem>>, %arg8: memref<32x1xf32, #tpu.memory_space<vmem>>, %arg9: memref<1x1xf32, #tpu.memory_space<vmem>>, %arg10: memref<2000x1xf32, #tpu.memory_space<vmem>>) attributes {dimension_semantics = [#tpu.dimension_semantics<arbitrary>], iteration_bounds = array<i64: 5>, scalar_prefetch = 0 : i64, scratch_operands = 0 : i64, tpu.core_type = #tpu.core_type<tc>, window_params = [{transform_indices = @transform_0, window_bounds = array<i64: 1, 2000, 32>}, {transform_indices = @transform_1, window_bounds = array<i64: 1, 2000, 32>}, {transform_indices = @transform_2, window_bounds = array<i64: 2000, 1>}, {transform_indices = @transform_3, window_bounds = array<i64: 2000, 64>}, {pipeline_mode = #tpu.pipeline_mode<synchronous>, transform_indices = @transform_4, window_bounds = array<i64: 32, 32>}, {pipeline_mode = #tpu.pipeline_mode<synchronous>, transform_indices = @transform_5, window_bounds = array<i64: 64, 32>}, {pipeline_mode = #tpu.pipeline_mode<synchronous>, transform_indices = @transform_6, window_bounds = array<i64: 1, 32>}, {pipeline_mode = #tpu.pipeline_mode<synchronous>, transform_indices = @transform_7, window_bounds = array<i64: 32, 1>}, {pipeline_mode = #tpu.pipeline_mode<synchronous>, transform_indices = @transform_8, window_bounds = array<i64: 1, 1>}, {transform_indices = @transform_9, window_bounds = array<i64: 2000, 1>}]} {
    %get3A = arith.constant 0 : index
    %get3A_0 = arith.constant 0 : index
    %get3A_1 = arith.constant 0 : index
    %get3A_2 = vector.load %arg1[%get3A, %get3A_0, %get3A_1] : memref<1x2000x32xf32, #tpu.memory_space<vmem>>, vector<1x2000x32xf32>
    %get3A_3 = vector.shape_cast %get3A_2 : vector<1x2000x32xf32> to vector<2000x32xf32>
    %get3A_4 = arith.constant 0 : index
    %get3A_5 = arith.constant 0 : index
    %get3A_6 = arith.constant 0 : index
    %get3A_7 = vector.load %arg2[%get3A_4, %get3A_5, %get3A_6] : memref<1x2000x32xf32, #tpu.memory_space<vmem>>, vector<1x2000x32xf32>
    %get3A_8 = vector.shape_cast %get3A_7 : vector<1x2000x32xf32> to vector<2000x32xf32>
    %add3A = arith.addf %get3A_3, %get3A_8 : vector<2000x32xf32>
    %get3A_9 = arith.constant 0 : index
    %get3A_10 = arith.constant 0 : index
    %get3A_11 = vector.load %arg3[%get3A_9, %get3A_10] : memref<2000x1xf32, #tpu.memory_space<vmem>>, vector<2000x1xf32>
    %mul3A = vector.broadcast %get3A_11 : vector<2000x1xf32> to vector<2000x32xf32>
    %mul3A_12 = arith.mulf %add3A, %mul3A : vector<2000x32xf32>
    %get3A_13 = arith.constant 0 : index
    %get3A_14 = arith.constant 0 : index
    %get3A_15 = vector.load %arg5[%get3A_13, %get3A_14] : memref<32x32xf32, #tpu.memory_space<vmem>>, vector<32x32xf32>
    %dot_general3A = arith.constant dense<0.000000e+00> : vector<2000x32xf32>
    %dot_general3A_16 = tpu.matmul %mul3A_12, %get3A_15, %dot_general3A {dimension_numbers = #tpu.dot_dimension_numbers<[1], [0], [0], [1], [0, 0, 1, 1], [], []>, transpose_lhs_hint = false} : vector<2000x32xf32>, vector<32x32xf32>, vector<2000x32xf32> -> vector<2000x32xf32>
    %get3A_17 = arith.constant 0 : index
    %get3A_18 = arith.constant 0 : index
    %get3A_19 = vector.load %arg4[%get3A_17, %get3A_18] : memref<2000x64xf32, #tpu.memory_space<vmem>>, vector<2000x64xf32>
    %get3A_20 = arith.constant 0 : index
    %get3A_21 = arith.constant 0 : index
    %get3A_22 = vector.load %arg6[%get3A_20, %get3A_21] : memref<64x32xf32, #tpu.memory_space<vmem>>, vector<64x32xf32>
    %dot_general3A_23 = arith.constant dense<0.000000e+00> : vector<2000x32xf32>
    %dot_general3A_24 = tpu.matmul %get3A_19, %get3A_22, %dot_general3A_23 {dimension_numbers = #tpu.dot_dimension_numbers<[1], [0], [0], [1], [0, 0, 1, 1], [], []>, transpose_lhs_hint = false} : vector<2000x64xf32>, vector<64x32xf32>, vector<2000x32xf32> -> vector<2000x32xf32>
    %add3A_25 = arith.addf %dot_general3A_16, %dot_general3A_24 : vector<2000x32xf32>
    %get3A_26 = arith.constant 0 : index
    %get3A_27 = arith.constant 0 : index
    %get3A_28 = vector.load %arg7[%get3A_26, %get3A_27] : memref<1x32xf32, #tpu.memory_space<vmem>>, vector<1x32xf32>
    %add3A_29 = vector.broadcast %get3A_28 : vector<1x32xf32> to vector<2000x32xf32>
    %add3A_30 = arith.addf %add3A_25, %add3A_29 : vector<2000x32xf32>
    %max3A = arith.constant 0.000000e+00 : f32
    %max3A_31 = vector.broadcast %max3A : f32 to vector<2000x32xf32>
    %max3A_32 = arith.maximumf %add3A_30, %max3A_31 : vector<2000x32xf32>
    %get3A_33 = arith.constant 0 : index
    %get3A_34 = arith.constant 0 : index
    %get3A_35 = vector.load %arg8[%get3A_33, %get3A_34] : memref<32x1xf32, #tpu.memory_space<vmem>>, vector<32x1xf32>
    %dot_general3A_36 = arith.constant dense<0.000000e+00> : vector<2000x1xf32>
    %dot_general3A_37 = tpu.matmul %max3A_32, %get3A_35, %dot_general3A_36 {dimension_numbers = #tpu.dot_dimension_numbers<[1], [0], [0], [1], [0, 0, 1, 1], [], []>, transpose_lhs_hint = false} : vector<2000x32xf32>, vector<32x1xf32>, vector<2000x1xf32> -> vector<2000x1xf32>
    %get3A_38 = arith.constant 0 : index
    %get3A_39 = arith.constant 0 : index
    %get3A_40 = vector.load %arg9[%get3A_38, %get3A_39] : memref<1x1xf32, #tpu.memory_space<vmem>>, vector<1x1xf32>
    %add3A_41 = vector.broadcast %get3A_40 : vector<1x1xf32> to vector<2000x1xf32>
    %add3A_42 = arith.addf %dot_general3A_37, %add3A_41 : vector<2000x1xf32>
    %swap3A = arith.constant 0 : index
    %swap3A_43 = arith.constant 0 : index
    %swap3A_44 = vector.load %arg10[%swap3A, %swap3A_43] : memref<2000x1xf32, #tpu.memory_space<vmem>>, vector<2000x1xf32>
    tpu.vector_store %arg10[%swap3A, %swap3A_43], %add3A_42 {strides = array<i32>} : memref<2000x1xf32, #tpu.memory_space<vmem>>, vector<2000x1xf32>,
    return
  }
  func.func @transform_0(%arg0: i32) -> (i32, i32, i32) {
    %c0_i32 = arith.constant 0 : i32
    %c0_i32_0 = arith.constant 0 : i32
    %c0_i32_1 = arith.constant 0 : i32
    return %c0_i32, %arg0, %c0_i32_0 : i32, i32, i32
  }
  func.func @transform_1(%arg0: i32) -> (i32, i32, i32) {
    %c1_i32 = arith.constant 1 : i32
    %c0_i32 = arith.constant 0 : i32
    %c0_i32_0 = arith.constant 0 : i32
    return %c1_i32, %arg0, %c0_i32 : i32, i32, i32
  }
  func.func @transform_2(%arg0: i32) -> (i32, i32) {
    %c0_i32 = arith.constant 0 : i32
    %c0_i32_0 = arith.constant 0 : i32
    return %arg0, %c0_i32 : i32, i32
  }
  func.func @transform_3(%arg0: i32) -> (i32, i32) {
    %c0_i32 = arith.constant 0 : i32
    %c0_i32_0 = arith.constant 0 : i32
    return %arg0, %c0_i32 : i32, i32
  }
  func.func @transform_4(%arg0: i32) -> (i32, i32) {
    %c0_i32 = arith.constant 0 : i32
    %c0_i32_0 = arith.constant 0 : i32
    %c0_i32_1 = arith.constant 0 : i32
    return %c0_i32, %c0_i32_0 : i32, i32
  }
  func.func @transform_5(%arg0: i32) -> (i32, i32) {
    %c0_i32 = arith.constant 0 : i32
    %c0_i32_0 = arith.constant 0 : i32
    %c0_i32_1 = arith.constant 0 : i32
    return %c0_i32, %c0_i32_0 : i32, i32
  }
  func.func @transform_6(%arg0: i32) -> (i32, i32) {
    %c0_i32 = arith.constant 0 : i32
    %c0_i32_0 = arith.constant 0 : i32
    %c0_i32_1 = arith.constant 0 : i32
    return %c0_i32, %c0_i32_0 : i32, i32
  }
  func.func @transform_7(%arg0: i32) -> (i32, i32) {
    %c0_i32 = arith.constant 0 : i32
    %c0_i32_0 = arith.constant 0 : i32
    %c0_i32_1 = arith.constant 0 : i32
    return %c0_i32, %c0_i32_0 : i32, i32
  }
  func.func @transform_8(%arg0: i32) -> (i32, i32) {
    %c0_i32 = arith.constant 0 : i32
    %c0_i32_0 = arith.constant 0 : i32
    %c0_i32_1 = arith.constant 0 : i32
    return %c0_i32, %c0_i32_0 : i32, i32
  }
  func.func @transform_9(%arg0: i32) -> (i32, i32) {
    %c0_i32 = arith.constant 0 : i32
    %c0_i32_0 = arith.constant 0 : i32
    return %arg0, %c0_i32 : i32, i32
  }
}

</mosaic_0001>

<sc_bundles>
// kernel: kernel.10.cloned.1.call-start
scs
__scs_entry_jumppad:
0x0: {  	(pc) =	sbr.rel $0x88, $3  }
0x1: {  	(tag) =	ssettag $0x0;
	lr =	simm.s32 $0x1  }
0x2: {  	[smem:$0x3F93] =	sst lr;
	_ =	strace $0xD0000000  }
0x3: {  	_ = 	snop  }
0x4: {  	_ = 	snop  }
0x5: {  	_ = 	snop  }
0x6: {  	_ = 	snop  }
0x7: {  	_ = 	snop  }
__scs_overlays_trampoline_lowered:
0x8: {  	[smem:$0x3FA2] =	sst s0  }
0x9: {  	[smem:$0x3FA3] =	sst s1  }
0xa: {  	[smem:$0x3FA4] =	sst s2  }
0xb: {  	[smem:$0x3FA5] =	sst s3  }
0xc: {  	[smem:$0x3FA6] =	sst s4  }
0xd: {  	[smem:$0x3FA7] =	sst s5  }
0xe: {  	[smem:$0x3FA8] =	sst s6  }
0xf: {  	[smem:$0x3FA9] =	sst s7  }
0x10: {  	[smem:$0x3FAA] =	sst s8  }
0x11: {  	[smem:$0x3FAB] =	sst s9;
	s0 =	simm.s32 @!p0 $0x0  }
0x12: {  	s1 =	sld [smem:$0x3F91];
	s0 =	simm.s32 @p0 $0x1  }
0x13: {  	[smem:$0x3FAC] =	sst s0;
	s0 =	simm.s32 @!p1 $0x0  }
0x14: {  	s2 =	sld [smem:$0x3F90];
	s0 =	simm.s32 @p1 $0x1  }
0x15: {  	[smem:$0x3FAD] =	sst s0;
	s0 =	simm.s32 @!p2 $0x0  }
0x16: {  	s3 =	sld [smem:$0x3FDB];
	s0 =	simm.s32 @p2 $0x1  }
0x17: {  	s4 =	simm.s32 $0x1BF5;
	[smem:$0x3FAF] =	sst s0  }
0x18: {  	s0 =	sld [smem:$0x3F92];
	_ =	swait.ge [sflag:s4], $0x0  }
0x19: {  	s7 =	sld [smem:$0x3F93]  }
0x1a: {  	s8 =	sadd.s32 $0xFFFFE003, lr  }
0x1b: {  	s9 =	sadd.s32 $0xFFFFFEF7, lr;
	s5 =	simm.s32 $0xFFFFFFFF;
	p2 =	slt.u32 s8, $0xFFFFF086  }
0x1c: {  	p1 =	slt.u32 s9, $0xF7A;
	s5 =	simm.s32 @!p2 $0x0  }
0x1d: {  	s5 =	simm.s32 @p1 $0x1;
	p0 =	seq.s32 s7, s2  }
0x1e: {  	s7 =	smul.u32 @!p0 $0xF7A, s2;
	p2 =	seq.s32 @!p0 s5, $0x0  }
0x1f: {  	s9 =	smul.u32 $0xF7A, s1;
	s8 =	simm.s32 @!p0 $0x1BF5;
	p2 =	por !p2, p0  }
0x20: {  	[sflag:s8] =	ssyncset.s32 @!p0 $0xFFFFF086;
	s6 =	sadd.s32 @!p0 s3, s7;
	s7 =	simm.s32 @!p0 $0x108  }
0x21: {  	s3 =	sadd.s32 s3, s9;
	s6 =	sadd.s32 @!p0 $0x88, s6;
	s7 =	simm.s32 @p2 $0x1082  }
0x22: {  	[simem:s7], [sflag:s8] =	dma.local @!p0 [hbm:s6], $0xF7A  }
0x23: {  	s9 =	sor.u32 $0xD0000000, s2;
	s6 =	simm.s32 $0x108;
	_ =	swait.ge @!p0 [sflag:s8], $0x0  }
0x24: {  	s3 =	sadd.s32 $0x88, s3;
	s6 =	simm.s32 @!p1 $0x1082;
	[sflag:s4] =	ssyncset.s32 $0xFFFFF086  }
0x25: {  	[simem:s6], [sflag:s4] =	dma.local [hbm:s3], $0xF7A  }
0x26: {  	[smem:$0x3F93] =	sst s1;
	(tag) =	ssettag s2;
	_ =	strace s9  }
0x27: {  	s1 =	sld [smem:$0x3FA3]  }
0x28: {  	s2 =	sld [smem:$0x3FA4]  }
0x29: {  	s4 =	sld [smem:$0x3FA6]  }
0x2a: {  	p0 =	seq.s32 s5, $0x0;
	s5 =	sld [smem:$0x3FA7]  }
0x2b: {  	s6 =	sld [smem:$0x3FA8]  }
0x2c: {  	s7 =	sld [smem:$0x3FA9]  }
0x2d: {  	s3 =	simm.s32 $0x108;
	s8 =	sld [smem:$0x3FAA]  }
0x2e: {  	s3 =	simm.s32 @!p0 $0x1082;
	s9 =	sld [smem:$0x3FAB]  }
0x2f: {  	lr =	sadd.s32 s0, s3;
	s0 =	sld [smem:$0x3FA2]  }
0x30: {  	s3 =	sld [smem:$0x3FA5]  }
0x31: {  	[smem:$0x3FAE] =	sst s10  }
0x32: {  	s10 =	sld [smem:$0x3FAC];
	_ =	sdelay $0x3  }
0x33: {  	p0 =	seq.s32 s10, $0x1;
	s10 =	sld [smem:$0x3FAE];
	_ =	sdelay $0x3  }
0x34: {  	[smem:$0x3FAE] =	sst s10  }
0x35: {  	s10 =	sld [smem:$0x3FAD];
	_ =	sdelay $0x3  }
0x36: {  	p1 =	seq.s32 s10, $0x1;
	s10 =	sld [smem:$0x3FAE];
	_ =	sdelay $0x3  }
0x37: {  	[smem:$0x3FAE] =	sst s10  }
0x38: {  	s10 =	sld [smem:$0x3FAF]  }
0x39: {  	_ = 	snop;
	(pc) =	sbr.ind lr, $3  }
0x3a: {  	_ = 	snop  }
0x3b: {  	_ = 	snop  }
0x3c: {  	p2 =	seq.s32 s10, $0x1;
	s10 =	sld [smem:$0x3FAE]  }
0x3d: {  	_ =	shalt  }
0x3e: {  	_ =	shalt  }
0x3f: {  	_ =	shalt  }
0x40: {  	_ =	shalt  }
0x41: {  	_ =	shalt  }
0x42: {  	_ =	shalt  }
0x43: {  	_ =	shalt  }
0x44: {  	_ =	shalt  }
0x45: {  	_ =	shalt  }
0x46: {  	_ =	shalt  }
0x47: {  	_ =	shalt  }
0x48: {  	_ =	shalt  }
0x49: {  	_ =	shalt  }
0x4a: {  	_ =	shalt  }
0x4b: {  	_ =	shalt  }
0x4c: {  	_ =	shalt  }
0x4d: {  	_ =	shalt  }
0x4e: {  	_ =	shalt  }
0x4f: {  	_ =	shalt  }
0x50: {  	_ =	shalt  }
0x51: {  	_ =	shalt  }
0x52: {  	_ =	shalt  }
0x53: {  	_ =	shalt  }
0x54: {  	_ =	shalt  }
0x55: {  	_ =	shalt  }
0x56: {  	_ =	shalt  }
0x57: {  	_ =	shalt  }
0x58: {  	_ =	shalt  }
0x59: {  	_ =	shalt  }
0x5a: {  	_ =	shalt  }
0x5b: {  	_ =	shalt  }
0x5c: {  	_ =	shalt  }
0x5d: {  	_ =	shalt  }
0x5e: {  	_ =	shalt  }
0x5f: {  	_ =	shalt  }
0x60: {  	_ =	shalt  }
0x61: {  	_ =	shalt  }
0x62: {  	_ =	shalt  }
0x63: {  	_ =	shalt  }
0x64: {  	_ =	shalt  }
0x65: {  	_ =	shalt  }
0x66: {  	_ =	shalt  }
0x67: {  	_ =	shalt  }
0x68: {  	_ =	shalt  }
0x69: {  	_ =	shalt  }
0x6a: {  	_ =	shalt  }
0x6b: {  	_ =	shalt  }
0x6c: {  	_ =	shalt  }
0x6d: {  	_ =	shalt  }
0x6e: {  	_ =	shalt  }
0x6f: {  	_ =	shalt  }
0x70: {  	_ =	shalt  }
0x71: {  	_ =	shalt  }
0x72: {  	_ =	shalt  }
0x73: {  	_ =	shalt  }
0x74: {  	_ =	shalt  }
0x75: {  	_ =	shalt  }
0x76: {  	_ =	shalt  }
0x77: {  	_ =	shalt  }
0x78: {  	_ =	shalt  }
0x79: {  	_ =	shalt  }
0x7a: {  	_ =	shalt  }
0x7b: {  	_ =	shalt  }
0x7c: {  	_ =	shalt  }
0x7d: {  	_ =	shalt  }
0x7e: {  	_ =	shalt  }
0x7f: {  	_ =	shalt  }
0x80: {  	_ =	shalt  }
0x81: {  	_ =	shalt  }
0x82: {  	_ =	shalt  }
0x83: {  	_ =	shalt  }
0x84: {  	_ =	shalt  }
0x85: {  	_ =	shalt  }
0x86: {  	_ =	shalt  }
0x87: {  	_ =	shalt  }
.Lfunc_end0:
.L_simem_size_0:
called_computation.1_lowered:
.L_overlay_start_0:
0x88: {  	s2 =	sld [smem:$0x3FD9]  }
0x89: {  	s3 =	sld [smem:$0x3FFE];
	_ =	sdelay $0x1  }
0x8a: {  	s1 =	srdreg.scid  }
0x8b: {  	s0 =	sand.u32 $0x1, s1  }
0x8c: {  	s16 =	sshll.u32 s0, $0xA;
	s2 =	sadd.s32 s3, s2  }
0x8d: {  	s2 =	sadd.s32 s2, s16  }
0x8e: {  	[smem:$0x3FBA] =	sst s2  }
0x8f: {  	_ = 	snop  }
0x90: {  	(tm) =	ssettm $0x1  }
0x91: {  	s17 =	sld [smem:$0x3FFB];
	_ =	sdelay $0x3  }
0x92: {  	_ =	strace s17  }
0x93: {  	s2 =	sld [smem:$0x3FFC];
	_ =	sdelay $0x3  }
0x94: {  	_ =	strace s2  }
0x95: {  	s2 =	sld [smem:$0x3FFD];
	_ =	sdelay $0x3  }
0x96: {  	_ =	strace s2  }
0x97: {  	_ =	strace $0x8FFFFFFF  }
0x98: {  	s18 =	sld [smem:$0x3FDB];
	_ =	sdelay $0x1  }
0x99: {  	s19 =	simm.s32 $_scs_section_size  }
0x9a: {  	s4 =	simm.s32 $_size__tile_overlayer_lowered;
	s5 =	simm.s32 $_tile_overlayer_lowered  }
0x9b: {  	s22 =	simm.s32 $0x1BFF;
	s21 =	sshll.u32 s5, $0x1;
	s2 =	sadd.s32 s19, s18  }
0x9c: {  	s6 =	simm.s32 $0x0;
	s20 =	sshll.u32 s4, $0x1;
	s4 =	sadd.s32 s21, s2  }
0x9d: {  	[timem:s6], [sflag:s22] =	dma.local [hbm:s4], s20  }
0x9e: {  	_ =	swait.ge [sflag:s22], s20  }
0x9f: {  	s3 =	ssub.s32 $0x0, s20;
	[sflag:s22] =	ssyncset.done $0x0  }
0xa0: {  	[sflag:s22] =	ssyncadd.s32 s3;
	_ =	sdelay $0x1  }
0xa1: {  	s23 =	simm.s32 $0x1B8B  }
0xa2: {  	_ =	swait.ge [sflag:s23], $0x1  }
0xa3: {  	[sflag:s23] =	ssyncset.done $0x0  }
0xa4: {  	s25 =	simm.s32 $0x1B8E;
	s24 =	sld [smem:$0x3FFE];
	[sflag:s23] =	ssyncadd.s32 $0xFFFFFFFF  }
0xa5: {  	s26 =	simm.s32 $execute0_lowered;
	[smem:$0x3FD2] =	sst s25  }
0xa6: {  	s4 =	sshll.u32 s26, $0x1;
	_ =	strace $0x80000049;
	[dreg:$0x1] =	wrdreg $0xFFFFFFFF  }
0xa7: {  	s28 =	simm.s32 $_size_execute0_lowered;
	s2 =	sadd.s32 s2, s4;
	[dreg:$0x0] =	wrdreg $0x0  }
0xa8: {  	s4 =	sshll.u32 s28, $0x1;
	[dreg:$0x2] =	wrdreg s2  }
0xa9: {  	[dreg:$0x3] =	wrdreg s4  }
0xaa: {  	[dreg:$0x4] =	wrdreg $0xC0  }
0xab: {  	_ =	task [dreg:s6], $0x5FFFF  }
0xac: {  	[dreg:$0x1] =	wrdreg $0xFFFFFFFF  }
0xad: {  	[dreg:$0x0] =	wrdreg $0x60  }
0xae: {  	[dreg:$0x2] =	wrdreg s24  }
0xaf: {  	[dreg:$0x3] =	wrdreg $0x90000  }
0xb0: {  	[dreg:$0x4] =	wrdreg $0xDF000  }
0xb1: {  	[dreg:$0x5] =	wrdreg $0x9  }
0xb2: {  	_ =	task.clear_ibuf [dreg:s6], $0x6FFFF;
	_ =	strace $0x90000049  }
0xb3: {  	s29 =	simm.s32 $0x9;
	_ =	strace $0x8000004B  }
0xb4: {  	_ =	swait.ge [sflag:s29], $0x1  }
0xb5: {  	[sflag:s29] =	ssyncadd.s32 $0xFFFFFFFF  }
0xb6: {  	_ =	strace $0x9000004B  }
0xb7: {  	_ =	sfence  }
0xb8: {  	s30 =	sld [smem:$0x0];
	_ =	sdelay $0x2  }
0xb9: {  	s31 =	sshll.u32 s1, $0xD;
	s1 =	sshrl.u32 s1, $0x2  }
0xba: {  	s3 =	sand.u32 $0x4000, s31;
	s1 =	sadd.s32 s1, s30  }
0xbb: {  	s0 =	sor.u32 s3, s0;
	s1 =	sshll.u32 s1, $0x11  }
0xbc: {  	s0 =	sor.u32 s1, s0  }
0xbd: {  	s0 =	sadd.s32 $0x8F2B, s0  }
0xbe: {  	[sflag:s0] =	ssyncadd.remote.s32 $0x1  }
0xbf: {  	_ =	sfence.sel $0xFFFF  }
0xc0: {  	[dreg:$0x0] =	wrdreg $0xFFFFFFFF;
	(pc) =	sbr.abs _section_cstart, $3  }
0xc1: {  	[dreg:$0x1] =	wrdreg $0xFFFFFFFF  }
0xc2: {  	_ =	task.clear_ibuf [dreg:s6], $0x2FFFF;
	_ =	strace $0x9FFFFFFF  }
0xc3: {  	(tm) =	ssettm $0x7FFFFFFF  }
tec
execute0_lowered:
.L_overlay_start_1:
0x0: {  	(tag) =	ssettag $0x1  }
0x1: {  	s0 =	rddreg [dreg:$0x0]  }
0x2: {  	s1 =	rddreg [dreg:$0x1]  }
0x3: {  	s2 =	rddreg [dreg:$0x2];
	s3 =	srdreg.scid;
	s4 =	simm.s32 $0x0  }
0x4: {  	s10 =	stileid.u32;
	s12 =	simm.s32 $0x5;
	s15 =	simm.s32 $0x80  }
0x5: {  	s16 =	simm.s32 $0x5000;
	s17 =	simm.s32 $0x6000;
	s19 =	simm.s32 $0x7000  }
0x6: {  	s20 =	simm.s32 $0x1;
	s21 =	simm.s32 $0x8000;
	s22 =	simm.s32 $0x2  }
0x7: {  	s23 =	simm.s32 $0x3;
	s28 =	simm.s32 $0x4E00;
	s29 =	simm.s32 $0x4E80  }
0x8: {  	s30 =	simm.s32 $0x4F00;
	s31 =	simm.s32 $0x4F80;
	s3 =	sand.u32 $0x1, s3  }
0x9: {  	[smem:$0x7FF] =	sst s4;
	s7 =	smul.u32 $0x4F00, s10;
	s26 =	sshll.u32 s10, $0x6  }
0xa: {  	s5 =	sshll.u32 s3, $0x4;
	_ =	strace $0x8000004A;
	s6 =	smul.u32 $0x9E00, s3  }
0xb: {  	s3 =	ssub.s32 $0x2, s3;
	s5 =	sor.u32 s10, s5;
	s14 =	sshrl.u32 s7, $0x3  }
0xc: {  	s25 =	sshrl.u32 s3, $0x1;
	s11 =	sadd.s32 s7, s1;
	s13 =	sadd.s32 s7, s2  }
0xd: {  	s5 =	smul.u32 $0x500, s5;
	s8 =	sadd.s32 s14, s0;
	s3 =	ssub.s32 s3, s25  }
0xe: {  	s11 =	sshrl.u32 s11, $0x3;
	s13 =	sshrl.u32 s13, $0x3;
	s25 =	simm.s32 $0x4  }
0xf: {  	s7 =	sadd.s32 $0x2600, s8;
	s10 =	smax.u32 s3, $0x1;
	s9 =	sadd.s32 s5, s0  }
0x10: {  	s0 =	sadd.s32 s6, s0;
	s5 =	sadd.s32 $0x2A200, s8;
	s6 =	sor.u32 $0x1C05, s26  }
0x11: {  	s26 =	simm.s32 $0x2780;
	s8 =	sadd.s32 $0x20200, s9;
	s0 =	sadd.s32 $0x34000, s0  }
0x12: {  	s9 =	sadd.s32 $0x16200, s9;
	s24 =	sadd.s32 s14, s0;
	s0 =	simm.s32 $0x0  }
.LBB2_1:
0x13: {  	[spmem:s11], [sflag:s6] =	dma.local [hbm:s5], $0x9E0  }
0x14: {  	_ =	swait.ge [sflag:s12], $0x9E0  }
0x15: {  	[sflag:s12] =	ssyncset.done $0x0  }
0x16: {  	[sflag:s12] =	ssyncadd.s32 $0xFFFFF620  }
0x17: {  	[spmem:s13], [sflag:s6] =	dma.local [hbm:s7], $0x9E0  }
0x18: {  	_ =	swait.ge [sflag:s12], $0x9E0  }
0x19: {  	[sflag:s12] =	ssyncset.done $0x0  }
0x1a: {  	[sflag:s12] =	ssyncadd.s32 $0xFFFFF620  }
0x1b: {  	[bflag:$0x0] =	sbarrier.arrive $0xFFFF  }
0x1c: {  	[tilespmem:s4], [sflag:$0x5] =	stream.linear.gather [hbm4b:s8+s4], $0x2800, $0x38;
	[tilespmem:$0x12E00] =	vst v63  }
0x1d: {  	_ =	swait.ge [sflag:s12], $0x2800  }
0x1e: {  	[sflag:s12] =	ssyncset.done $0x0  }
0x1f: {  	s3 =	simm.s32 $0x2800;
	[sflag:s12] =	ssyncadd.s32 $0xFFFFD800  }
0x20: {  	[tilespmem:s3], [sflag:$0x5] =	stream.linear.gather [hbm4b:s9+s4], $0x2800, $0x38;
	[tilespmem:$0x12E00] =	vst v63  }
0x21: {  	_ =	swait.ge [sflag:s12], $0x2800  }
0x22: {  	[sflag:s12] =	ssyncset.done $0x0  }
0x23: {  	[sflag:s12] =	ssyncadd.s32 $0xFFFFD800  }
0x24: {  	[tilespmem:s16], [sflag:$0x1] =	stream.indirect.gather [spmem:s2], $0x20, s4, s15, $0xb8;
	[tilespmem:$0x12E00] =	vst v63  }
0x25: {  	_ = 	snop  }
0x26: {  	[tilespmem:s17], [sflag:$0x2] =	stream.indirect.gather [spmem:s2], $0x20, s15, s15, $0xb8;
	[tilespmem:$0x12E00] =	vst v63  }
0x27: {  	s18 =	simm.s32 $0x100  }
0x28: {  	[tilespmem:s19], [sflag:$0x3] =	stream.indirect.gather [spmem:s2], $0x20, s18, s15, $0xb8;
	[tilespmem:$0x12E00] =	vst v63  }
0x29: {  	_ =	swait.ge [sflag:s20], $0x1000  }
0x2a: {  	[sflag:s20] =	ssyncset.done $0x0  }
0x2b: {  	s14 =	simm.s32 $0x180;
	[sflag:s20] =	ssyncadd.s32 $0xFFFFF000  }
0x2c: {  	[tilespmem:s21], [sflag:$0x4] =	stream.indirect.gather [spmem:s2], $0x20, s14, s15, $0xb8;
	[tilespmem:$0x12E00] =	vst v63  }
0x2d: {  	s18 =	simm.s32 $0x2800  }
0x2e: {  	[spmem:s1] =	stream.indirect.scatter.add.f32 [tilespmem:s16], [sflag:$0x5], $0x20, s18, s15, $0xb8;
	[tilespmem:$0x12E00] =	vst v63  }
0x2f: {  	_ =	swait.ge [sflag:s12], $0x1000  }
0x30: {  	[sflag:s12] =	ssyncset.done $0x0  }
0x31: {  	[sflag:s12] =	ssyncadd.s32 $0xFFFFF000  }
0x32: {  	_ =	swait.ge [sflag:s22], $0x1000  }
0x33: {  	[sflag:s22] =	ssyncset.done $0x0  }
0x34: {  	s14 =	simm.s32 $0x200;
	[sflag:s22] =	ssyncadd.s32 $0xFFFFF000  }
0x35: {  	[tilespmem:s16], [sflag:$0x1] =	stream.indirect.gather [spmem:s2], $0x20, s14, s15, $0xb8;
	[tilespmem:$0x12E00] =	vst v63  }
0x36: {  	s18 =	simm.s32 $0x2880  }
0x37: {  	[spmem:s1] =	stream.indirect.scatter.add.f32 [tilespmem:s17], [sflag:$0x5], $0x20, s18, s15, $0xb8;
	[tilespmem:$0x12E00] =	vst v63  }
0x38: {  	_ =	swait.ge [sflag:s12], $0x1000  }
0x39: {  	[sflag:s12] =	ssyncset.done $0x0  }
0x3a: {  	[sflag:s12] =	ssyncadd.s32 $0xFFFFF000  }
0x3b: {  	_ =	swait.ge [sflag:s23], $0x1000  }
0x3c: {  	[sflag:s23] =	ssyncset.done $0x0  }
0x3d: {  	s14 =	simm.s32 $0x280;
	[sflag:s23] =	ssyncadd.s32 $0xFFFFF000  }
0x3e: {  	[tilespmem:s17], [sflag:$0x2] =	stream.indirect.gather [spmem:s2], $0x20, s14, s15, $0xb8;
	[tilespmem:$0x12E00] =	vst v63  }
0x3f: {  	s18 =	simm.s32 $0x2900  }
0x40: {  	[spmem:s1] =	stream.indirect.scatter.add.f32 [tilespmem:s19], [sflag:$0x5], $0x20, s18, s15, $0xb8;
	[tilespmem:$0x12E00] =	vst v63  }
0x41: {  	_ =	swait.ge [sflag:s12], $0x1000  }
0x42: {  	[sflag:s12] =	ssyncset.done $0x0  }
0x43: {  	[sflag:s12] =	ssyncadd.s32 $0xFFFFF000  }
0x44: {  	_ =	swait.ge [sflag:s25], $0x1000  }
0x45: {  	[sflag:s25] =	ssyncset.done $0x0  }
0x46: {  	s14 =	simm.s32 $0x300;
	[sflag:s25] =	ssyncadd.s32 $0xFFFFF000  }
0x47: {  	[tilespmem:s19], [sflag:$0x3] =	stream.indirect.gather [spmem:s2], $0x20, s14, s15, $0xb8;
	[tilespmem:$0x12E00] =	vst v63  }
0x48: {  	s18 =	simm.s32 $0x2980  }
0x49: {  	[spmem:s1] =	stream.indirect.scatter.add.f32 [tilespmem:s21], [sflag:$0x5], $0x20, s18, s15, $0xb8;
	[tilespmem:$0x12E00] =	vst v63  }
0x4a: {  	_ =	swait.ge [sflag:s12], $0x1000  }
0x4b: {  	s3 =	simm.s32 $0x800;
	[sflag:s12] =	ssyncset.done $0x0  }
.LBB2_2:
0x4c: {  	p0 =	sne.s32 s3, $0x9000  }
0x4d: {  	[sflag:s12] =	ssyncadd.s32 $0xFFFFF000;
	s14 =	smov.u32 s3;
	s3 =	sadd.s32 $0x800, s3  }
0x4e: {  	_ = 	snop  }
0x4f: {  	_ =	swait.ge [sflag:s20], $0x1000  }
0x50: {  	s14 =	sshra.s32 s14, $0x2;
	[sflag:s20] =	ssyncset.done $0x0  }
0x51: {  	s18 =	sadd.s32 $0x180, s14;
	[sflag:s20] =	ssyncadd.s32 $0xFFFFF000  }
0x52: {  	[tilespmem:s21], [sflag:$0x4] =	stream.indirect.gather [spmem:s2], $0x20, s18, s15, $0xb8;
	[tilespmem:$0x12E00] =	vst v63  }
0x53: {  	s18 =	sadd.s32 $0x2800, s14  }
0x54: {  	[spmem:s1] =	stream.indirect.scatter.add.f32 [tilespmem:s16], [sflag:$0x5], $0x20, s18, s15, $0xb8;
	[tilespmem:$0x12E00] =	vst v63  }
0x55: {  	_ =	swait.ge [sflag:s12], $0x1000  }
0x56: {  	[sflag:s12] =	ssyncset.done $0x0  }
0x57: {  	[sflag:s12] =	ssyncadd.s32 $0xFFFFF000  }
0x58: {  	_ =	swait.ge [sflag:s22], $0x1000  }
0x59: {  	[sflag:s22] =	ssyncset.done $0x0  }
0x5a: {  	s18 =	sadd.s32 $0x200, s14;
	[sflag:s22] =	ssyncadd.s32 $0xFFFFF000  }
0x5b: {  	[tilespmem:s16], [sflag:$0x1] =	stream.indirect.gather [spmem:s2], $0x20, s18, s15, $0xb8;
	[tilespmem:$0x12E00] =	vst v63  }
0x5c: {  	s18 =	sadd.s32 $0x2880, s14  }
0x5d: {  	[spmem:s1] =	stream.indirect.scatter.add.f32 [tilespmem:s17], [sflag:$0x5], $0x20, s18, s15, $0xb8;
	[tilespmem:$0x12E00] =	vst v63  }
0x5e: {  	_ =	swait.ge [sflag:s12], $0x1000  }
0x5f: {  	[sflag:s12] =	ssyncset.done $0x0  }
0x60: {  	[sflag:s12] =	ssyncadd.s32 $0xFFFFF000  }
0x61: {  	_ =	swait.ge [sflag:s23], $0x1000  }
0x62: {  	[sflag:s23] =	ssyncset.done $0x0  }
0x63: {  	s18 =	sadd.s32 $0x280, s14;
	[sflag:s23] =	ssyncadd.s32 $0xFFFFF000  }
0x64: {  	[tilespmem:s17], [sflag:$0x2] =	stream.indirect.gather [spmem:s2], $0x20, s18, s15, $0xb8;
	[tilespmem:$0x12E00] =	vst v63  }
0x65: {  	s18 =	sadd.s32 $0x2900, s14  }
0x66: {  	[spmem:s1] =	stream.indirect.scatter.add.f32 [tilespmem:s19], [sflag:$0x5], $0x20, s18, s15, $0xb8;
	[tilespmem:$0x12E00] =	vst v63  }
0x67: {  	_ =	swait.ge [sflag:s12], $0x1000  }
0x68: {  	[sflag:s12] =	ssyncset.done $0x0  }
0x69: {  	[sflag:s12] =	ssyncadd.s32 $0xFFFFF000  }
0x6a: {  	_ =	swait.ge [sflag:s25], $0x1000  }
0x6b: {  	[sflag:s25] =	ssyncset.done $0x0  }
0x6c: {  	s18 =	sadd.s32 $0x300, s14;
	[sflag:s25] =	ssyncadd.s32 $0xFFFFF000  }
0x6d: {  	[tilespmem:s19], [sflag:$0x3] =	stream.indirect.gather [spmem:s2], $0x20, s18, s15, $0xb8;
	[tilespmem:$0x12E00] =	vst v63  }
.Ltmp0:
0x6e: {  	_ = 	snop;
	(pc) =	sbr.rel @p0 .LBB2_2-.Ltmp0, $4  }
0x6f: {  	s14 =	sadd.s32 $0x2980, s14  }
0x70: {  	[spmem:s1] =	stream.indirect.scatter.add.f32 [tilespmem:s21], [sflag:$0x5], $0x20, s14, s15, $0xb8;
	[tilespmem:$0x12E00] =	vst v63  }
0x71: {  	_ =	swait.ge [sflag:s12], $0x1000  }
0x72: {  	[sflag:s12] =	ssyncset.done $0x0  }
0x73: {  	[sflag:s12] =	ssyncadd.s32 $0xFFFFF000  }
0x74: {  	_ =	swait.ge [sflag:s20], $0x1000  }
0x75: {  	[sflag:s20] =	ssyncset.done $0x0  }
0x76: {  	[sflag:s20] =	ssyncadd.s32 $0xFFFFF000  }
0x77: {  	[tilespmem:s21], [sflag:$0x4] =	stream.indirect.gather [spmem:s2], $0x20, s26, s15, $0xb8;
	[tilespmem:$0x12E00] =	vst v63  }
0x78: {  	_ = 	snop  }
0x79: {  	[spmem:s1] =	stream.indirect.scatter.add.f32 [tilespmem:s16], [sflag:$0x5], $0x20, s28, s15, $0xb8;
	[tilespmem:$0x12E00] =	vst v63  }
0x7a: {  	_ =	swait.ge [sflag:s12], $0x1000  }
0x7b: {  	[sflag:s12] =	ssyncset.done $0x0  }
0x7c: {  	[sflag:s12] =	ssyncadd.s32 $0xFFFFF000  }
0x7d: {  	_ =	swait.ge [sflag:s22], $0x1000  }
0x7e: {  	[sflag:s22] =	ssyncset.done $0x0  }
0x7f: {  	[sflag:s22] =	ssyncadd.s32 $0xFFFFF000  }
0x80: {  	[spmem:s1] =	stream.indirect.scatter.add.f32 [tilespmem:s17], [sflag:$0x5], $0x20, s29, s15, $0xb8;
	[tilespmem:$0x12E00] =	vst v63  }
0x81: {  	_ =	swait.ge [sflag:s12], $0x1000  }
0x82: {  	[sflag:s12] =	ssyncset.done $0x0  }
0x83: {  	[sflag:s12] =	ssyncadd.s32 $0xFFFFF000  }
0x84: {  	_ =	swait.ge [sflag:s23], $0x1000  }
0x85: {  	[sflag:s23] =	ssyncset.done $0x0  }
0x86: {  	[sflag:s23] =	ssyncadd.s32 $0xFFFFF000  }
0x87: {  	[spmem:s1] =	stream.indirect.scatter.add.f32 [tilespmem:s19], [sflag:$0x5], $0x20, s30, s15, $0xb8;
	[tilespmem:$0x12E00] =	vst v63  }
0x88: {  	_ =	swait.ge [sflag:s12], $0x1000  }
0x89: {  	[sflag:s12] =	ssyncset.done $0x0  }
0x8a: {  	[sflag:s12] =	ssyncadd.s32 $0xFFFFF000  }
0x8b: {  	_ =	swait.ge [sflag:s25], $0x1000  }
0x8c: {  	[sflag:s25] =	ssyncset.done $0x0  }
0x8d: {  	[sflag:s25] =	ssyncadd.s32 $0xFFFFF000  }
0x8e: {  	[spmem:s1] =	stream.indirect.scatter.add.f32 [tilespmem:s21], [sflag:$0x5], $0x20, s31, s15, $0xb8;
	[tilespmem:$0x12E00] =	vst v63  }
0x8f: {  	_ =	swait.ge [sflag:s12], $0x1000  }
0x90: {  	s0 =	sadd.s32 $0x1, s0;
	[sflag:s12] =	ssyncset.done $0x0  }
0x91: {  	p0 =	sne.s32 s0, s10;
	[sflag:s12] =	ssyncadd.s32 $0xFFFFF000  }
.Ltmp1:
0x92: {  	[bflag:$0x0] =	sbarrier.arrive $0xFFFF;
	(pc) =	sbr.rel @p0 .LBB2_1-.Ltmp1, $4  }
0x93: {  	[hbm:s24], [sflag:s6] =	dma.local [spmem:s11], $0x9E0  }
0x94: {  	_ =	swait.ge [sflag:s12], $0x9E0  }
0x95: {  	[sflag:s12] =	ssyncset.done $0x0  }
0x96: {  	[sflag:s12] =	ssyncadd.s32 $0xFFFFF620  }
0x97: {  	_ =	sfence.sel $0x180000  }
0x98: {  	[bflag:$0x0] =	sbarrier.arrive $0xFFFF  }
0x99: {  	_ =	strace $0x9000004A  }
0x9a: {  	s0 =	stileid.u32;
	[bflag:$0x2] =	sbarrier.arrive $0xFFFF  }
0x9b: {  	p0 =	sne.s32 s0, $0x0;
	s0 =	rddreg [dreg:$0x3]  }
0x9c: {  	s0 =	sadd.s32 @!p0 $0x100000, s0  }
0x9d: {  	[sflag:s0] =	ssyncadd.tile.s32 @!p0 $0x1;
	_ =	shalt  }
.Lfunc_end2:
_tile_overlayer_lowered:
.L_overlay_start_2:
0x9e: {  	(tag) =	ssettag $0x2  }
0x9f: {  	s0 =	rddreg [dreg:$0x0];
	s2 =	stileid.u32  }
0xa0: {  	s1 =	rddreg [dreg:$0x1];
	p0 =	sne.s32 s2, $0x0  }
0xa1: {  	s3 =	rddreg [dreg:$0x2];
	[bflag:$0x3] =	sbarrier.arrive $0xFFFF;
	s2 =	simm.s32 @!p0 $0x1C05  }
0xa2: {  	[timem:s3], [sflag:s2] =	dma.local @!p0 [hbm:s0], s1  }
0xa3: {  	s0 =	simm.s32 @!p0 $0x5  }
0xa4: {  	_ =	swait.ge @!p0 [sflag:s0], s1  }
0xa5: {  	s1 =	ssub.s32 @!p0 $0x0, s1;
	[sflag:s0] =	ssyncset.done @!p0 $0x0  }
0xa6: {  	[sflag:s0] =	ssyncadd.s32 @!p0 s1  }
0xa7: {  	[bflag:$0x3] =	sbarrier.arrive $0xFFFF  }
0xa8: {  	_ =	shalt  }

// kernel: kernel.7.cloned.1.call-start
scs
__scs_entry_jumppad:
0x0: {  	(pc) =	sbr.rel $0x88, $3  }
0x1: {  	(tag) =	ssettag $0x0;
	lr =	simm.s32 $0x1  }
0x2: {  	[smem:$0x3F93] =	sst lr;
	_ =	strace $0xD0000000  }
0x3: {  	_ = 	snop  }
0x4: {  	_ = 	snop  }
0x5: {  	_ = 	snop  }
0x6: {  	_ = 	snop  }
0x7: {  	_ = 	snop  }
__scs_overlays_trampoline_lowered:
0x8: {  	[smem:$0x3FA2] =	sst s0  }
0x9: {  	[smem:$0x3FA3] =	sst s1  }
0xa: {  	[smem:$0x3FA4] =	sst s2  }
0xb: {  	[smem:$0x3FA5] =	sst s3  }
0xc: {  	[smem:$0x3FA6] =	sst s4  }
0xd: {  	[smem:$0x3FA7] =	sst s5  }
0xe: {  	[smem:$0x3FA8] =	sst s6  }
0xf: {  	[smem:$0x3FA9] =	sst s7  }
0x10: {  	[smem:$0x3FAA] =	sst s8  }
0x11: {  	[smem:$0x3FAB] =	sst s9;
	s0 =	simm.s32 @!p0 $0x0  }
0x12: {  	s1 =	sld [smem:$0x3F91];
	s0 =	simm.s32 @p0 $0x1  }
0x13: {  	[smem:$0x3FAC] =	sst s0;
	s0 =	simm.s32 @!p1 $0x0  }
0x14: {  	s2 =	sld [smem:$0x3F90];
	s0 =	simm.s32 @p1 $0x1  }
0x15: {  	[smem:$0x3FAD] =	sst s0;
	s0 =	simm.s32 @!p2 $0x0  }
0x16: {  	s3 =	sld [smem:$0x3FDB];
	s0 =	simm.s32 @p2 $0x1  }
0x17: {  	s4 =	simm.s32 $0x1BF5;
	[smem:$0x3FAF] =	sst s0  }
0x18: {  	s0 =	sld [smem:$0x3F92];
	_ =	swait.ge [sflag:s4], $0x0  }
0x19: {  	s7 =	sld [smem:$0x3F93]  }
0x1a: {  	s8 =	sadd.s32 $0xFFFFE003, lr  }
0x1b: {  	s9 =	sadd.s32 $0xFFFFFEF7, lr;
	s5 =	simm.s32 $0xFFFFFFFF;
	p2 =	slt.u32 s8, $0xFFFFF086  }
0x1c: {  	p1 =	slt.u32 s9, $0xF7A;
	s5 =	simm.s32 @!p2 $0x0  }
0x1d: {  	s5 =	simm.s32 @p1 $0x1;
	p0 =	seq.s32 s7, s2  }
0x1e: {  	s7 =	smul.u32 @!p0 $0xF7A, s2;
	p2 =	seq.s32 @!p0 s5, $0x0  }
0x1f: {  	s9 =	smul.u32 $0xF7A, s1;
	s8 =	simm.s32 @!p0 $0x1BF5;
	p2 =	por !p2, p0  }
0x20: {  	[sflag:s8] =	ssyncset.s32 @!p0 $0xFFFFF086;
	s6 =	sadd.s32 @!p0 s3, s7;
	s7 =	simm.s32 @!p0 $0x108  }
0x21: {  	s3 =	sadd.s32 s3, s9;
	s6 =	sadd.s32 @!p0 $0x88, s6;
	s7 =	simm.s32 @p2 $0x1082  }
0x22: {  	[simem:s7], [sflag:s8] =	dma.local @!p0 [hbm:s6], $0xF7A  }
0x23: {  	s9 =	sor.u32 $0xD0000000, s2;
	s6 =	simm.s32 $0x108;
	_ =	swait.ge @!p0 [sflag:s8], $0x0  }
0x24: {  	s3 =	sadd.s32 $0x88, s3;
	s6 =	simm.s32 @!p1 $0x1082;
	[sflag:s4] =	ssyncset.s32 $0xFFFFF086  }
0x25: {  	[simem:s6], [sflag:s4] =	dma.local [hbm:s3], $0xF7A  }
0x26: {  	[smem:$0x3F93] =	sst s1;
	(tag) =	ssettag s2;
	_ =	strace s9  }
0x27: {  	s1 =	sld [smem:$0x3FA3]  }
0x28: {  	s2 =	sld [smem:$0x3FA4]  }
0x29: {  	s4 =	sld [smem:$0x3FA6]  }
0x2a: {  	p0 =	seq.s32 s5, $0x0;
	s5 =	sld [smem:$0x3FA7]  }
0x2b: {  	s6 =	sld [smem:$0x3FA8]  }
0x2c: {  	s7 =	sld [smem:$0x3FA9]  }
0x2d: {  	s3 =	simm.s32 $0x108;
	s8 =	sld [smem:$0x3FAA]  }
0x2e: {  	s3 =	simm.s32 @!p0 $0x1082;
	s9 =	sld [smem:$0x3FAB]  }
0x2f: {  	lr =	sadd.s32 s0, s3;
	s0 =	sld [smem:$0x3FA2]  }
0x30: {  	s3 =	sld [smem:$0x3FA5]  }
0x31: {  	[smem:$0x3FAE] =	sst s10  }
0x32: {  	s10 =	sld [smem:$0x3FAC];
	_ =	sdelay $0x3  }
0x33: {  	p0 =	seq.s32 s10, $0x1;
	s10 =	sld [smem:$0x3FAE];
	_ =	sdelay $0x3  }
0x34: {  	[smem:$0x3FAE] =	sst s10  }
0x35: {  	s10 =	sld [smem:$0x3FAD];
	_ =	sdelay $0x3  }
0x36: {  	p1 =	seq.s32 s10, $0x1;
	s10 =	sld [smem:$0x3FAE];
	_ =	sdelay $0x3  }
0x37: {  	[smem:$0x3FAE] =	sst s10  }
0x38: {  	s10 =	sld [smem:$0x3FAF]  }
0x39: {  	_ = 	snop;
	(pc) =	sbr.ind lr, $3  }
0x3a: {  	_ = 	snop  }
0x3b: {  	_ = 	snop  }
0x3c: {  	p2 =	seq.s32 s10, $0x1;
	s10 =	sld [smem:$0x3FAE]  }
0x3d: {  	_ =	shalt  }
0x3e: {  	_ =	shalt  }
0x3f: {  	_ =	shalt  }
0x40: {  	_ =	shalt  }
0x41: {  	_ =	shalt  }
0x42: {  	_ =	shalt  }
0x43: {  	_ =	shalt  }
0x44: {  	_ =	shalt  }
0x45: {  	_ =	shalt  }
0x46: {  	_ =	shalt  }
0x47: {  	_ =	shalt  }
0x48: {  	_ =	shalt  }
0x49: {  	_ =	shalt  }
0x4a: {  	_ =	shalt  }
0x4b: {  	_ =	shalt  }
0x4c: {  	_ =	shalt  }
0x4d: {  	_ =	shalt  }
0x4e: {  	_ =	shalt  }
0x4f: {  	_ =	shalt  }
0x50: {  	_ =	shalt  }
0x51: {  	_ =	shalt  }
0x52: {  	_ =	shalt  }
0x53: {  	_ =	shalt  }
0x54: {  	_ =	shalt  }
0x55: {  	_ =	shalt  }
0x56: {  	_ =	shalt  }
0x57: {  	_ =	shalt  }
0x58: {  	_ =	shalt  }
0x59: {  	_ =	shalt  }
0x5a: {  	_ =	shalt  }
0x5b: {  	_ =	shalt  }
0x5c: {  	_ =	shalt  }
0x5d: {  	_ =	shalt  }
0x5e: {  	_ =	shalt  }
0x5f: {  	_ =	shalt  }
0x60: {  	_ =	shalt  }
0x61: {  	_ =	shalt  }
0x62: {  	_ =	shalt  }
0x63: {  	_ =	shalt  }
0x64: {  	_ =	shalt  }
0x65: {  	_ =	shalt  }
0x66: {  	_ =	shalt  }
0x67: {  	_ =	shalt  }
0x68: {  	_ =	shalt  }
0x69: {  	_ =	shalt  }
0x6a: {  	_ =	shalt  }
0x6b: {  	_ =	shalt  }
0x6c: {  	_ =	shalt  }
0x6d: {  	_ =	shalt  }
0x6e: {  	_ =	shalt  }
0x6f: {  	_ =	shalt  }
0x70: {  	_ =	shalt  }
0x71: {  	_ =	shalt  }
0x72: {  	_ =	shalt  }
0x73: {  	_ =	shalt  }
0x74: {  	_ =	shalt  }
0x75: {  	_ =	shalt  }
0x76: {  	_ =	shalt  }
0x77: {  	_ =	shalt  }
0x78: {  	_ =	shalt  }
0x79: {  	_ =	shalt  }
0x7a: {  	_ =	shalt  }
0x7b: {  	_ =	shalt  }
0x7c: {  	_ =	shalt  }
0x7d: {  	_ =	shalt  }
0x7e: {  	_ =	shalt  }
0x7f: {  	_ =	shalt  }
0x80: {  	_ =	shalt  }
0x81: {  	_ =	shalt  }
0x82: {  	_ =	shalt  }
0x83: {  	_ =	shalt  }
0x84: {  	_ =	shalt  }
0x85: {  	_ =	shalt  }
0x86: {  	_ =	shalt  }
0x87: {  	_ =	shalt  }
.Lfunc_end0:
.L_simem_size_0:
called_computation_lowered:
.L_overlay_start_0:
0x88: {  	s2 =	sld [smem:$0x3FD9]  }
0x89: {  	s3 =	sld [smem:$0x3FFE];
	_ =	sdelay $0x1  }
0x8a: {  	s1 =	srdreg.scid  }
0x8b: {  	s0 =	sand.u32 $0x1, s1  }
0x8c: {  	s17 =	sshll.u32 s0, $0xA;
	s2 =	sadd.s32 s3, s2  }
0x8d: {  	s2 =	sadd.s32 s2, s17  }
0x8e: {  	[smem:$0x3FBA] =	sst s2  }
0x8f: {  	_ = 	snop  }
0x90: {  	s2 =	sld [smem:$0x3FD0];
	(tm) =	ssettm $0x1  }
0x91: {  	s18 =	sld [smem:$0x3FFB];
	_ =	sdelay $0x3  }
0x92: {  	_ =	strace s18  }
0x93: {  	s3 =	sld [smem:$0x3FFC];
	_ =	sdelay $0x3  }
0x94: {  	_ =	strace s3  }
0x95: {  	s3 =	sld [smem:$0x3FFD];
	_ =	sdelay $0x3  }
0x96: {  	_ =	strace s3  }
0x97: {  	_ =	strace $0x8FFFFFFF  }
0x98: {  	s19 =	sld [smem:$0x3FDB];
	_ =	sdelay $0x1  }
0x99: {  	s4 =	simm.s32 $_scs_section_size  }
0x9a: {  	s5 =	simm.s32 $_size__tile_overlayer_lowered;
	s6 =	simm.s32 $_tile_overlayer_lowered  }
0x9b: {  	s22 =	simm.s32 $0x1BFF;
	s21 =	sshll.u32 s6, $0x1;
	s3 =	sadd.s32 s4, s19  }
0x9c: {  	s7 =	simm.s32 $0x0;
	s20 =	sshll.u32 s5, $0x1;
	s5 =	sadd.s32 s21, s3  }
0x9d: {  	[timem:s7], [sflag:s22] =	dma.local [hbm:s5], s20  }
0x9e: {  	_ =	swait.ge [sflag:s22], s20  }
0x9f: {  	s4 =	ssub.s32 $0x0, s20;
	[sflag:s22] =	ssyncset.done $0x0  }
0xa0: {  	[sflag:s22] =	ssyncadd.s32 s4;
	_ =	sdelay $0x1  }
0xa1: {  	s23 =	simm.s32 $0x1B8B  }
0xa2: {  	_ =	swait.ge [sflag:s23], $0x1  }
0xa3: {  	[sflag:s23] =	ssyncset.done $0x0  }
0xa4: {  	s25 =	simm.s32 $0x1B8E;
	s24 =	sld [smem:$0x3FFE];
	[sflag:s23] =	ssyncadd.s32 $0xFFFFFFFF  }
0xa5: {  	s26 =	simm.s32 $execute0_lowered;
	[smem:$0x3FD2] =	sst s25  }
0xa6: {  	s5 =	sshll.u32 s26, $0x1;
	_ =	strace $0x80000046;
	[dreg:$0x1] =	wrdreg $0xFFFFFFFF  }
0xa7: {  	s28 =	simm.s32 $_size_execute0_lowered;
	s3 =	sadd.s32 s3, s5;
	[dreg:$0x0] =	wrdreg $0x0  }
0xa8: {  	s5 =	sshll.u32 s28, $0x1;
	[dreg:$0x2] =	wrdreg s3  }
0xa9: {  	[dreg:$0x3] =	wrdreg s5  }
0xaa: {  	[dreg:$0x4] =	wrdreg $0xC0  }
0xab: {  	_ =	task [dreg:s7], $0x5FFFF  }
0xac: {  	[dreg:$0x1] =	wrdreg $0xFFFFFFFF  }
0xad: {  	[dreg:$0x0] =	wrdreg $0x60  }
0xae: {  	[dreg:$0x2] =	wrdreg s24  }
0xaf: {  	[dreg:$0x3] =	wrdreg s2  }
0xb0: {  	[dreg:$0x4] =	wrdreg $0xE4000  }
0xb1: {  	[dreg:$0x5] =	wrdreg $0x182000  }
0xb2: {  	[dreg:$0x6] =	wrdreg $0x133000  }
0xb3: {  	[dreg:$0x7] =	wrdreg $0x9  }
0xb4: {  	_ =	task.clear_ibuf [dreg:s7], $0x8FFFF;
	_ =	strace $0x90000046  }
0xb5: {  	s29 =	simm.s32 $0x9;
	_ =	strace $0x80000048  }
0xb6: {  	_ =	swait.ge [sflag:s29], $0x1  }
0xb7: {  	[sflag:s29] =	ssyncadd.s32 $0xFFFFFFFF  }
0xb8: {  	_ =	strace $0x90000048  }
0xb9: {  	_ =	sfence  }
0xba: {  	s30 =	sld [smem:$0x0];
	_ =	sdelay $0x2  }
0xbb: {  	s31 =	sshll.u32 s1, $0xD;
	s1 =	sshrl.u32 s1, $0x2  }
0xbc: {  	s3 =	sand.u32 $0x4000, s31;
	s1 =	sadd.s32 s1, s30  }
0xbd: {  	s0 =	sor.u32 s3, s0;
	s1 =	sshll.u32 s1, $0x11  }
0xbe: {  	s0 =	sor.u32 s1, s0  }
0xbf: {  	s0 =	sadd.s32 $0x8F2B, s0  }
0xc0: {  	[sflag:s0] =	ssyncadd.remote.s32 $0x1  }
0xc1: {  	_ =	sfence.sel $0xFFFF  }
0xc2: {  	[dreg:$0x0] =	wrdreg $0xFFFFFFFF;
	(pc) =	sbr.abs _section_cstart, $3  }
0xc3: {  	[dreg:$0x1] =	wrdreg $0xFFFFFFFF  }
0xc4: {  	_ =	task.clear_ibuf [dreg:s7], $0x2FFFF;
	_ =	strace $0x9FFFFFFF  }
0xc5: {  	(tm) =	ssettm $0x7FFFFFFF  }
tec
execute0_lowered:
.L_overlay_start_1:
0x0: {  	(tag) =	ssettag $0x1  }
0x1: {  	s0 =	rddreg [dreg:$0x0]  }
0x2: {  	s2 =	rddreg [dreg:$0x2]  }
0x3: {  	s4 =	rddreg [dreg:$0x3]  }
0x4: {  	s5 =	rddreg [dreg:$0x4]  }
0x5: {  	s6 =	simm.s32 $0x0;
	s18 =	stileid.u32;
	s7 =	srdreg.scid  }
0x6: {  	s28 =	simm.s32 $0x1;
	s29 =	simm.s32 $0xD000;
	s1 =	smul.u32 $0xA00, s18  }
0x7: {  	s30 =	simm.s32 $0x6;
	s31 =	simm.s32 $0x2;
	s3 =	smul.u32 $0x4F00, s18  }
0x8: {  	[smem:$0x7FF] =	sst s6;
	s9 =	smul.u32 $0x13C0, s18;
	s7 =	sand.u32 $0x1, s7  }
0x9: {  	s21 =	sshll.u32 s18, $0x6;
	_ =	strace $0x80000047;
	s8 =	smul.u32 $0x9E00, s7  }
0xa: {  	s10 =	smul.u32 $0x2780, s7;
	s11 =	ssub.s32 $0x2, s7;
	p0 =	seq.s32 s7, $0x0  }
0xb: {  	s7 =	simm.s32 $0xC400;
	s1 =	sadd.s32 s1, s0;
	s17 =	sshrl.u32 s3, $0x3  }
0xc: {  	s19 =	sshrl.u32 s9, $0x3;
	s14 =	sshrl.u32 s11, $0x1;
	s16 =	sadd.s32 s3, s2  }
0xd: {  	s22 =	sadd.s32 s9, s4;
	s3 =	sadd.s32 s3, s5;
	s7 =	simm.s32 @!p0 $0x2600  }
0xe: {  	s13 =	sadd.s32 s17, s0;
	s12 =	sadd.s32 s19, s0;
	s15 =	sadd.s32 s8, s0  }
0xf: {  	s0 =	sadd.s32 s10, s0;
	s14 =	ssub.s32 s11, s14;
	s8 =	sor.u32 $0x1C05, s21  }
0x10: {  	s24 =	sadd.s32 $0x20200, s1;
	s1 =	sadd.s32 $0x16200, s1;
	s18 =	sshrl.u32 s3, $0x3  }
0x11: {  	s21 =	simm.s32 $0xA000;
	s3 =	simm.s32 $0x4;
	[dreg:$0x8] =	wrdreg s24  }
0x12: {  	s20 =	sadd.s32 $0x2A200, s13;
	s23 =	sadd.s32 $0x34000, s12;
	[dreg:$0x9] =	wrdreg s1  }
0x13: {  	s25 =	sadd.s32 $0x3B800, s15;
	s0 =	sadd.s32 $0x36800, s0;
	[dreg:$0x6] =	wrdreg s20  }
0x14: {  	s26 =	smax.u32 s14, $0x1;
	s7 =	sadd.s32 s7, s13;
	[dreg:$0x7] =	wrdreg s23  }
0x15: {  	s14 =	sshrl.u32 s16, $0x3;
	s15 =	simm.s32 $0x5;
	[dreg:$0xa] =	wrdreg s26  }
0x16: {  	s16 =	sshrl.u32 s22, $0x3;
	[dreg:$0xb] =	wrdreg s7;
	s20 =	simm.s32 $0x80  }
0x17: {  	s22 =	sadd.s32 s17, s25;
	s23 =	simm.s32 $0xB000;
	s24 =	sadd.s32 s19, s0  }
0x18: {  	s26 =	simm.s32 $0xC000;
	s0 =	simm.s32 $0x3;
	s25 =	simm.s32 $0x0  }
.LBB2_1:
0x19: {  	s1 =	rddreg [dreg:$0x6]  }
0x1a: {  	[spmem:s14], [sflag:s8] =	dma.local [hbm:s1], $0x9E0  }
0x1b: {  	_ =	swait.ge [sflag:s15], $0x9E0  }
0x1c: {  	[sflag:s15] =	ssyncset.done $0x0  }
0x1d: {  	s10 =	rddreg [dreg:$0x7];
	[sflag:s15] =	ssyncadd.s32 $0xFFFFF620  }
0x1e: {  	[spmem:s16], [sflag:s8] =	dma.local [hbm:s10], $0x278  }
0x1f: {  	_ =	swait.ge [sflag:s15], $0x278  }
0x20: {  	[sflag:s15] =	ssyncset.done $0x0  }
0x21: {  	[sflag:s15] =	ssyncadd.s32 $0xFFFFFD88  }
0x22: {  	s7 =	simm.s32 $0xE000;
	s11 =	rddreg [dreg:$0x1]  }
0x23: {  	[tilespmem:s7], [sflag:$0x5] =	stream.linear.gather [hbm4b:s11+s6], $0x400, $0x38;
	[tilespmem:$0x195C0] =	vst v63  }
0x24: {  	_ =	swait.ge [sflag:s15], $0x400  }
0x25: {  	[sflag:s15] =	ssyncset.done $0x0  }
0x26: {  	s12 =	rddreg [dreg:$0xb];
	[sflag:s15] =	ssyncadd.s32 $0xFFFFFC00  }
0x27: {  	[spmem:s18], [sflag:s8] =	dma.local [hbm:s12], $0x9E0  }
0x28: {  	_ =	swait.ge [sflag:s15], $0x9E0  }
0x29: {  	[sflag:s15] =	ssyncset.done $0x0  }
0x2a: {  	[sflag:s15] =	ssyncadd.s32 $0xFFFFF620  }
0x2b: {  	[bflag:$0x0] =	sbarrier.arrive $0xFFFF  }
0x2c: {  	s13 =	rddreg [dreg:$0x8]  }
0x2d: {  	[tilespmem:s6], [sflag:$0x5] =	stream.linear.gather [hbm4b:s13+s6], $0x5000, $0x38;
	[tilespmem:$0x195C0] =	vst v63  }
0x2e: {  	_ =	swait.ge [sflag:s15], $0x5000  }
0x2f: {  	[sflag:s15] =	ssyncset.done $0x0  }
0x30: {  	s19 =	simm.s32 $0x5000;
	s17 =	rddreg [dreg:$0x9];
	[sflag:s15] =	ssyncadd.s32 $0xFFFFB000  }
0x31: {  	[tilespmem:s19], [sflag:$0x5] =	stream.linear.gather [hbm4b:s17+s6], $0x5000, $0x38;
	[tilespmem:$0x195C0] =	vst v63  }
0x32: {  	_ =	swait.ge [sflag:s15], $0x5000  }
0x33: {  	[sflag:s15] =	ssyncset.done $0x0  }
0x34: {  	[sflag:s15] =	ssyncadd.s32 $0xFFFFB000  }
0x35: {  	[tilespmem:s21], [sflag:$0x1] =	stream.indirect.gather [spmem:s5], $0x20, s6, s20, $0xb8;
	[tilespmem:$0x195C0] =	vst v63  }
0x36: {  	_ = 	snop  }
0x37: {  	[tilespmem:s23], [sflag:$0x2] =	stream.indirect.gather [spmem:s5], $0x20, s20, s20, $0xb8;
	[tilespmem:$0x195C0] =	vst v63  }
0x38: {  	s9 =	simm.s32 $0x100  }
0x39: {  	[tilespmem:s26], [sflag:$0x3] =	stream.indirect.gather [spmem:s5], $0x20, s9, s20, $0xb8;
	[tilespmem:$0x195C0] =	vst v63  }
0x3a: {  	_ =	swait.ge [sflag:s28], $0x1000  }
0x3b: {  	[sflag:s28] =	ssyncset.done $0x0  }
0x3c: {  	p2 =	por $0x0, $0x0;
	s10 =	simm.s32 $0x180;
	[sflag:s28] =	ssyncadd.s32 $0xFFFFF000  }
0x3d: {  	[tilespmem:s29], [sflag:$0x4] =	stream.indirect.gather [spmem:s5], $0x20, s10, s20, $0xb8;
	[tilespmem:$0x195C0] =	vst v63  }
0x3e: {  	s1 =	simm.s32 $0x1;
	s7 =	simm.s32 $0x5000;
	s17 =	simm.s32 $0x1  }
0x3f: {  	[spmem:s2] =	stream.indirect.scatter.add.f32 [tilespmem:s21], [sflag:$0x6], $0x20, s7, s20, $0xb8;
	[tilespmem:$0x195C0] =	vst v63  }
0x40: {  	s1 =	simm.s32 @!p0 $0x0;
	s17 =	simm.s32 @!p2 $0x0;
	_ =	swait.ge [sflag:s30], $0x1000  }
0x41: {  	p1 =	seq.s32 s1, s17;
	[sflag:s30] =	ssyncset.done $0x0  }
0x42: {  	s17 =	simm.s32 @!p1 $0x80;
	s19 =	simm.s32 @!p1 $0xE000;
	[sflag:s30] =	ssyncadd.s32 $0xFFFFF000  }
0x43: {  	[spmem:s4] =	stream.indirect.scatter.add.f32 @!p1 [tilespmem:s19], [sflag:$0x6], $0x8, s7, s17, $0xb8;
	[tilespmem:$0x195C0] =	vst v63  }
0x44: {  	s7 =	simm.s32 @!p1 $0x6  }
0x45: {  	_ =	swait.ge @!p1 [sflag:s7], $0x400  }
0x46: {  	[sflag:s7] =	ssyncset.done @!p1 $0x0  }
0x47: {  	[sflag:s7] =	ssyncadd.s32 @!p1 $0xFFFFFC00  }
0x48: {  	_ =	swait.ge [sflag:s31], $0x1000  }
0x49: {  	[sflag:s31] =	ssyncset.done $0x0  }
0x4a: {  	s11 =	simm.s32 $0x200;
	[sflag:s31] =	ssyncadd.s32 $0xFFFFF000  }
0x4b: {  	[tilespmem:s21], [sflag:$0x1] =	stream.indirect.gather [spmem:s5], $0x20, s11, s20, $0xb8;
	[tilespmem:$0x195C0] =	vst v63  }
0x4c: {  	p1 =	por !p2, !p2;
	s7 =	simm.s32 $0x5080  }
0x4d: {  	[spmem:s2] =	stream.indirect.scatter.add.f32 [tilespmem:s23], [sflag:$0x6], $0x20, s7, s20, $0xb8;
	[tilespmem:$0x195C0] =	vst v63  }
0x4e: {  	p1 =	por @!p0 p2, p2;
	_ =	swait.ge [sflag:s30], $0x1000  }
0x4f: {  	s17 =	simm.s32 @p1 $0x80;
	[sflag:s30] =	ssyncset.done $0x0  }
0x50: {  	s19 =	simm.s32 @p1 $0xE000;
	s9 =	simm.s32 @p1 $0x6;
	[sflag:s30] =	ssyncadd.s32 $0xFFFFF000  }
0x51: {  	[spmem:s4] =	stream.indirect.scatter.add.f32 @p1 [tilespmem:s19], [sflag:$0x6], $0x8, s7, s17, $0xb8;
	[tilespmem:$0x195C0] =	vst v63  }
0x52: {  	_ =	swait.ge @p1 [sflag:s9], $0x400  }
0x53: {  	[sflag:s9] =	ssyncset.done @p1 $0x0  }
0x54: {  	[sflag:s9] =	ssyncadd.s32 @p1 $0xFFFFFC00  }
0x55: {  	_ =	swait.ge [sflag:s0], $0x1000  }
0x56: {  	[sflag:s0] =	ssyncset.done $0x0  }
0x57: {  	s12 =	simm.s32 $0x280;
	[sflag:s0] =	ssyncadd.s32 $0xFFFFF000  }
0x58: {  	[tilespmem:s23], [sflag:$0x2] =	stream.indirect.gather [spmem:s5], $0x20, s12, s20, $0xb8;
	[tilespmem:$0x195C0] =	vst v63  }
0x59: {  	s7 =	simm.s32 $0x5100  }
0x5a: {  	[spmem:s2] =	stream.indirect.scatter.add.f32 [tilespmem:s26], [sflag:$0x6], $0x20, s7, s20, $0xb8;
	[tilespmem:$0x195C0] =	vst v63  }
0x5b: {  	_ =	swait.ge [sflag:s30], $0x1000  }
0x5c: {  	[sflag:s30] =	ssyncset.done $0x0  }
0x5d: {  	[sflag:s30] =	ssyncadd.s32 $0xFFFFF000  }
0x5e: {  	[spmem:s4] =	stream.indirect.scatter.add.f32 @p1 [tilespmem:s19], [sflag:$0x6], $0x8, s7, s17, $0xb8;
	[tilespmem:$0x195C0] =	vst v63  }
0x5f: {  	_ =	swait.ge @p1 [sflag:s9], $0x400  }
0x60: {  	[sflag:s9] =	ssyncset.done @p1 $0x0  }
0x61: {  	[sflag:s9] =	ssyncadd.s32 @p1 $0xFFFFFC00  }
0x62: {  	_ =	swait.ge [sflag:s3], $0x1000  }
0x63: {  	[sflag:s3] =	ssyncset.done $0x0  }
0x64: {  	s13 =	simm.s32 $0x300;
	[sflag:s3] =	ssyncadd.s32 $0xFFFFF000  }
0x65: {  	[tilespmem:s26], [sflag:$0x3] =	stream.indirect.gather [spmem:s5], $0x20, s13, s20, $0xb8;
	[tilespmem:$0x195C0] =	vst v63  }
0x66: {  	s7 =	simm.s32 $0x5180  }
0x67: {  	[spmem:s2] =	stream.indirect.scatter.add.f32 [tilespmem:s29], [sflag:$0x6], $0x20, s7, s20, $0xb8;
	[tilespmem:$0x195C0] =	vst v63  }
0x68: {  	_ =	swait.ge [sflag:s30], $0x1000  }
0x69: {  	[sflag:s30] =	ssyncset.done $0x0  }
0x6a: {  	[sflag:s30] =	ssyncadd.s32 $0xFFFFF000  }
0x6b: {  	[spmem:s4] =	stream.indirect.scatter.add.f32 @p1 [tilespmem:s19], [sflag:$0x5], $0x8, s7, s17, $0xb8;
	[tilespmem:$0x195C0] =	vst v63  }
0x6c: {  	s7 =	simm.s32 @p1 $0x5  }
0x6d: {  	s17 =	simm.s32 $0x800;
	s19 =	simm.s32 $0x0;
	_ =	swait.ge @p1 [sflag:s7], $0x400  }
.LBB2_2:
0x6e: {  	[sflag:s7] =	ssyncset.done @p1 $0x0  }
0x6f: {  	s19 =	sadd.s32 $0x1, s19;
	s9 =	smov.u32 s17;
	s17 =	sadd.s32 $0x800, s17  }
0x70: {  	p2 =	sne.s32 s17, $0x13800;
	[sflag:s7] =	ssyncadd.s32 @p1 $0xFFFFFC00  }
0x71: {  	_ =	swait.ge [sflag:s28], $0x1000  }
0x72: {  	s7 =	sshra.s32 s9, $0x2;
	[sflag:s28] =	ssyncset.done $0x0  }
0x73: {  	s9 =	sadd.s32 $0x180, s7;
	[sflag:s28] =	ssyncadd.s32 $0xFFFFF000  }
0x74: {  	[tilespmem:s29], [sflag:$0x4] =	stream.indirect.gather [spmem:s5], $0x20, s9, s20, $0xb8;
	[tilespmem:$0x195C0] =	vst v63  }
0x75: {  	s10 =	simm.s32 $0x1;
	p3 =	sgt.u32 s19, $0x13;
	s9 =	sadd.s32 $0x5000, s7  }
0x76: {  	[spmem:s2] =	stream.indirect.scatter.add.f32 [tilespmem:s21], [sflag:$0x6], $0x20, s9, s20, $0xb8;
	[tilespmem:$0x195C0] =	vst v63  }
0x77: {  	p1 =	por !p3, !p3;
	s10 =	simm.s32 @!p3 $0x0;
	_ =	swait.ge [sflag:s30], $0x1000  }
0x78: {  	p4 =	seq.s32 s1, s10;
	[sflag:s30] =	ssyncset.done $0x0  }
0x79: {  	s10 =	simm.s32 @!p4 $0x80;
	s11 =	simm.s32 @!p4 $0xE000;
	[sflag:s30] =	ssyncadd.s32 $0xFFFFF000  }
0x7a: {  	[spmem:s4] =	stream.indirect.scatter.add.f32 @!p4 [tilespmem:s11], [sflag:$0x6], $0x8, s9, s10, $0xb8;
	[tilespmem:$0x195C0] =	vst v63  }
0x7b: {  	s9 =	simm.s32 @!p4 $0x6  }
0x7c: {  	_ =	swait.ge @!p4 [sflag:s9], $0x400  }
0x7d: {  	[sflag:s9] =	ssyncset.done @!p4 $0x0  }
0x7e: {  	[sflag:s9] =	ssyncadd.s32 @!p4 $0xFFFFFC00  }
0x7f: {  	_ =	swait.ge [sflag:s31], $0x1000  }
0x80: {  	s9 =	sadd.s32 $0x200, s7;
	[sflag:s31] =	ssyncset.done $0x0  }
0x81: {  	s10 =	sadd.s32 $0x5080, s7;
	[sflag:s31] =	ssyncadd.s32 $0xFFFFF000  }
0x82: {  	[tilespmem:s21], [sflag:$0x1] =	stream.indirect.gather [spmem:s5], $0x20, s9, s20, $0xb8;
	[tilespmem:$0x195C0] =	vst v63  }
0x83: {  	_ = 	snop  }
0x84: {  	[spmem:s2] =	stream.indirect.scatter.add.f32 [tilespmem:s23], [sflag:$0x6], $0x20, s10, s20, $0xb8;
	[tilespmem:$0x195C0] =	vst v63  }
0x85: {  	p1 =	por @!p0 p3, p3;
	_ =	swait.ge [sflag:s30], $0x1000  }
0x86: {  	s11 =	simm.s32 @p1 $0xE000;
	s9 =	simm.s32 @p1 $0x80;
	[sflag:s30] =	ssyncset.done $0x0  }
0x87: {  	s12 =	simm.s32 @p1 $0x6;
	[sflag:s30] =	ssyncadd.s32 $0xFFFFF000  }
0x88: {  	[spmem:s4] =	stream.indirect.scatter.add.f32 @p1 [tilespmem:s11], [sflag:$0x6], $0x8, s10, s9, $0xb8;
	[tilespmem:$0x195C0] =	vst v63  }
0x89: {  	_ =	swait.ge @p1 [sflag:s12], $0x400  }
0x8a: {  	[sflag:s12] =	ssyncset.done @p1 $0x0  }
0x8b: {  	[sflag:s12] =	ssyncadd.s32 @p1 $0xFFFFFC00  }
0x8c: {  	_ =	swait.ge [sflag:s0], $0x1000  }
0x8d: {  	s10 =	sadd.s32 $0x280, s7;
	[sflag:s0] =	ssyncset.done $0x0  }
0x8e: {  	s13 =	sadd.s32 $0x5100, s7;
	[sflag:s0] =	ssyncadd.s32 $0xFFFFF000  }
0x8f: {  	[tilespmem:s23], [sflag:$0x2] =	stream.indirect.gather [spmem:s5], $0x20, s10, s20, $0xb8;
	[tilespmem:$0x195C0] =	vst v63  }
0x90: {  	_ = 	snop  }
0x91: {  	[spmem:s2] =	stream.indirect.scatter.add.f32 [tilespmem:s26], [sflag:$0x6], $0x20, s13, s20, $0xb8;
	[tilespmem:$0x195C0] =	vst v63  }
0x92: {  	_ =	swait.ge [sflag:s30], $0x1000  }
0x93: {  	[sflag:s30] =	ssyncset.done $0x0  }
0x94: {  	[sflag:s30] =	ssyncadd.s32 $0xFFFFF000  }
0x95: {  	[spmem:s4] =	stream.indirect.scatter.add.f32 @p1 [tilespmem:s11], [sflag:$0x6], $0x8, s13, s9, $0xb8;
	[tilespmem:$0x195C0] =	vst v63  }
0x96: {  	_ =	swait.ge @p1 [sflag:s12], $0x400  }
0x97: {  	[sflag:s12] =	ssyncset.done @p1 $0x0  }
0x98: {  	[sflag:s12] =	ssyncadd.s32 @p1 $0xFFFFFC00  }
0x99: {  	_ =	swait.ge [sflag:s3], $0x1000  }
0x9a: {  	s10 =	sadd.s32 $0x300, s7;
	[sflag:s3] =	ssyncset.done $0x0  }
0x9b: {  	s12 =	sadd.s32 $0x5180, s7;
	[sflag:s3] =	ssyncadd.s32 $0xFFFFF000  }
0x9c: {  	[tilespmem:s26], [sflag:$0x3] =	stream.indirect.gather [spmem:s5], $0x20, s10, s20, $0xb8;
	[tilespmem:$0x195C0] =	vst v63  }
0x9d: {  	_ = 	snop  }
0x9e: {  	[spmem:s2] =	stream.indirect.scatter.add.f32 [tilespmem:s29], [sflag:$0x6], $0x20, s12, s20, $0xb8;
	[tilespmem:$0x195C0] =	vst v63  }
.Ltmp0:
0x9f: {  	_ =	swait.ge [sflag:s30], $0x1000;
	(pc) =	sbr.rel @p2 .LBB2_2-.Ltmp0, $4  }
0xa0: {  	[sflag:s30] =	ssyncset.done $0x0  }
0xa1: {  	s7 =	simm.s32 @p1 $0x5;
	[sflag:s30] =	ssyncadd.s32 $0xFFFFF000  }
0xa2: {  	[spmem:s4] =	stream.indirect.scatter.add.f32 @p1 [tilespmem:s11], [sflag:$0x5], $0x8, s12, s9, $0xb8;
	[tilespmem:$0x195C0] =	vst v63  }
0xa3: {  	_ =	swait.ge @p1 [sflag:s7], $0x400  }
0xa4: {  	[sflag:s7] =	ssyncset.done @p1 $0x0  }
0xa5: {  	[sflag:s7] =	ssyncadd.s32 @p1 $0xFFFFFC00  }
0xa6: {  	_ =	swait.ge [sflag:s28], $0x1000  }
0xa7: {  	[sflag:s28] =	ssyncset.done $0x0  }
0xa8: {  	s1 =	simm.s32 $0x4F80;
	[sflag:s28] =	ssyncadd.s32 $0xFFFFF000  }
0xa9: {  	[tilespmem:s29], [sflag:$0x4] =	stream.indirect.gather [spmem:s5], $0x20, s1, s20, $0xb8;
	[tilespmem:$0x195C0] =	vst v63  }
0xaa: {  	s13 =	simm.s32 $0x9E00  }
0xab: {  	[spmem:s2] =	stream.indirect.scatter.add.f32 [tilespmem:s21], [sflag:$0x6], $0x20, s13, s20, $0xb8;
	[tilespmem:$0x195C0] =	vst v63  }
0xac: {  	_ =	swait.ge [sflag:s30], $0x1000  }
0xad: {  	[sflag:s30] =	ssyncset.done $0x0  }
0xae: {  	s1 =	simm.s32 @p0 $0x2;
	[sflag:s30] =	ssyncadd.s32 $0xFFFFF000  }
0xaf: {  	_ =	swait.ge @p0 [sflag:s1], $0x1000  }
0xb0: {  	s9 =	simm.s32 @p0 $0xB000;
	[sflag:s1] =	ssyncset.done @p0 $0x0  }
0xb1: {  	s7 =	simm.s32 @p0 $0x9E80;
	[sflag:s1] =	ssyncadd.s32 @p0 $0xFFFFF000;
	s1 =	simm.s32 @p0 $0x80  }
0xb2: {  	[spmem:s2] =	stream.indirect.scatter.add.f32 @p0 [tilespmem:s9], [sflag:$0x6], $0x20, s7, s1, $0xb8;
	[tilespmem:$0x195C0] =	vst v63  }
0xb3: {  	s7 =	simm.s32 @p0 $0x6  }
0xb4: {  	_ =	swait.ge @p0 [sflag:s7], $0x1000  }
0xb5: {  	s10 =	simm.s32 @!p0 $0x9E00;
	[sflag:s7] =	ssyncset.done @p0 $0x0  }
0xb6: {  	s11 =	simm.s32 @!p0 $0xE000;
	s9 =	simm.s32 @!p0 $0x80;
	[sflag:s7] =	ssyncadd.s32 @p0 $0xFFFFF000  }
0xb7: {  	[spmem:s4] =	stream.indirect.scatter.add.f32 @!p0 [tilespmem:s11], [sflag:$0x6], $0x8, s10, s9, $0xb8;
	[tilespmem:$0x195C0] =	vst v63  }
0xb8: {  	s10 =	simm.s32 @!p0 $0x6  }
0xb9: {  	_ =	swait.ge @!p0 [sflag:s10], $0x400  }
0xba: {  	[sflag:s10] =	ssyncset.done @!p0 $0x0  }
0xbb: {  	s12 =	simm.s32 @!p0 $0x2;
	[sflag:s10] =	ssyncadd.s32 @!p0 $0xFFFFFC00  }
0xbc: {  	_ =	swait.ge @!p0 [sflag:s12], $0x1000  }
0xbd: {  	[sflag:s12] =	ssyncset.done @!p0 $0x0  }
0xbe: {  	s13 =	simm.s32 @!p0 $0xB000;
	[sflag:s12] =	ssyncadd.s32 @!p0 $0xFFFFF000;
	s12 =	simm.s32 @!p0 $0x9E80  }
0xbf: {  	[spmem:s2] =	stream.indirect.scatter.add.f32 @!p0 [tilespmem:s13], [sflag:$0x6], $0x20, s12, s9, $0xb8;
	[tilespmem:$0x195C0] =	vst v63  }
0xc0: {  	_ =	swait.ge @!p0 [sflag:s10], $0x1000  }
0xc1: {  	[sflag:s10] =	ssyncset.done @!p0 $0x0  }
0xc2: {  	[sflag:s10] =	ssyncadd.s32 @!p0 $0xFFFFF000  }
0xc3: {  	[spmem:s4] =	stream.indirect.scatter.add.f32 @!p0 [tilespmem:s11], [sflag:$0x6], $0x8, s12, s9, $0xb8;
	[tilespmem:$0x195C0] =	vst v63  }
0xc4: {  	_ =	swait.ge @!p0 [sflag:s10], $0x400  }
0xc5: {  	[sflag:s10] =	ssyncset.done @!p0 $0x0  }
0xc6: {  	[sflag:s10] =	ssyncadd.s32 @!p0 $0xFFFFFC00  }
0xc7: {  	_ =	swait.ge [sflag:s0], $0x1000  }
0xc8: {  	[sflag:s0] =	ssyncset.done $0x0  }
0xc9: {  	s17 =	simm.s32 $0x9F00;
	[sflag:s0] =	ssyncadd.s32 $0xFFFFF000  }
0xca: {  	[spmem:s2] =	stream.indirect.scatter.add.f32 [tilespmem:s26], [sflag:$0x6], $0x20, s17, s20, $0xb8;
	[tilespmem:$0x195C0] =	vst v63  }
0xcb: {  	_ =	swait.ge [sflag:s30], $0x1000  }
0xcc: {  	[sflag:s30] =	ssyncset.done $0x0  }
0xcd: {  	s12 =	simm.s32 @p0 $0x4;
	[sflag:s30] =	ssyncadd.s32 $0xFFFFF000  }
0xce: {  	_ =	swait.ge @p0 [sflag:s12], $0x1000  }
0xcf: {  	[sflag:s12] =	ssyncset.done @p0 $0x0  }
0xd0: {  	s13 =	simm.s32 @p0 $0xD000;
	[sflag:s12] =	ssyncadd.s32 @p0 $0xFFFFF000;
	s12 =	simm.s32 @p0 $0x9F80  }
0xd1: {  	[spmem:s2] =	stream.indirect.scatter.add.f32 @p0 [tilespmem:s13], [sflag:$0x6], $0x20, s12, s1, $0xb8;
	[tilespmem:$0x195C0] =	vst v63  }
0xd2: {  	_ =	swait.ge @p0 [sflag:s7], $0x1000  }
0xd3: {  	[sflag:s7] =	ssyncset.done @p0 $0x0  }
0xd4: {  	s1 =	simm.s32 @!p0 $0x9F00;
	[sflag:s7] =	ssyncadd.s32 @p0 $0xFFFFF000  }
0xd5: {  	[spmem:s4] =	stream.indirect.scatter.add.f32 @!p0 [tilespmem:s11], [sflag:$0x6], $0x8, s1, s9, $0xb8;
	[tilespmem:$0x195C0] =	vst v63  }
0xd6: {  	_ =	swait.ge @!p0 [sflag:s10], $0x400  }
0xd7: {  	[sflag:s10] =	ssyncset.done @!p0 $0x0  }
0xd8: {  	s1 =	simm.s32 @!p0 $0x4;
	[sflag:s10] =	ssyncadd.s32 @!p0 $0xFFFFFC00  }
0xd9: {  	_ =	swait.ge @!p0 [sflag:s1], $0x1000  }
0xda: {  	[sflag:s1] =	ssyncset.done @!p0 $0x0  }
0xdb: {  	s7 =	simm.s32 @!p0 $0xD000;
	[sflag:s1] =	ssyncadd.s32 @!p0 $0xFFFFF000;
	s1 =	simm.s32 @!p0 $0x9F80  }
0xdc: {  	[spmem:s2] =	stream.indirect.scatter.add.f32 @!p0 [tilespmem:s7], [sflag:$0x6], $0x20, s1, s9, $0xb8;
	[tilespmem:$0x195C0] =	vst v63  }
0xdd: {  	_ =	swait.ge @!p0 [sflag:s10], $0x1000  }
0xde: {  	[sflag:s10] =	ssyncset.done @!p0 $0x0  }
0xdf: {  	[sflag:s10] =	ssyncadd.s32 @!p0 $0xFFFFF000  }
0xe0: {  	[spmem:s4] =	stream.indirect.scatter.add.f32 @!p0 [tilespmem:s11], [sflag:$0x5], $0x8, s1, s9, $0xb8;
	[tilespmem:$0x195C0] =	vst v63  }
0xe1: {  	s1 =	simm.s32 @!p0 $0x5  }
0xe2: {  	_ =	swait.ge @!p0 [sflag:s1], $0x400  }
0xe3: {  	[sflag:s1] =	ssyncset.done @!p0 $0x0  }
0xe4: {  	[sflag:s1] =	ssyncadd.s32 @!p0 $0xFFFFFC00  }
0xe5: {  	[bflag:$0x0] =	sbarrier.arrive $0xFFFF  }
0xe6: {  	[hbm:s22], [sflag:s8] =	dma.local [spmem:s14], $0x9E0  }
0xe7: {  	_ =	swait.ge [sflag:s15], $0x9E0  }
0xe8: {  	[sflag:s15] =	ssyncset.done $0x0  }
0xe9: {  	[sflag:s15] =	ssyncadd.s32 $0xFFFFF620  }
0xea: {  	[hbm:s24], [sflag:s8] =	dma.local [spmem:s16], $0x278  }
0xeb: {  	_ =	swait.ge [sflag:s15], $0x278  }
0xec: {  	s25 =	sadd.s32 $0x1, s25;
	s19 =	rddreg [dreg:$0xa]  }
0xed: {  	p1 =	sne.s32 s25, s19  }
.Ltmp1:
0xee: {  	_ = 	snop;
	(pc) =	sbr.rel @p1 .LBB2_1-.Ltmp1, $3  }
0xef: {  	_ =	sdelay $0x1  }
0xf0: {  	[sflag:s15] =	ssyncset.done $0x0  }
0xf1: {  	[sflag:s15] =	ssyncadd.s32 $0xFFFFFD88  }
0xf2: {  	_ =	sfence.sel $0x180000  }
0xf3: {  	[bflag:$0x0] =	sbarrier.arrive $0xFFFF  }
0xf4: {  	_ =	strace $0x90000047  }
0xf5: {  	s0 =	stileid.u32;
	[bflag:$0x2] =	sbarrier.arrive $0xFFFF  }
0xf6: {  	p0 =	sne.s32 s0, $0x0;
	s0 =	rddreg [dreg:$0x5]  }
0xf7: {  	s0 =	sadd.s32 @!p0 $0x100000, s0  }
0xf8: {  	[sflag:s0] =	ssyncadd.tile.s32 @!p0 $0x1;
	_ =	shalt  }
.Lfunc_end2:
_tile_overlayer_lowered:
.L_overlay_start_2:
0xf9: {  	(tag) =	ssettag $0x2  }
0xfa: {  	s0 =	rddreg [dreg:$0x0];
	s2 =	stileid.u32  }
0xfb: {  	s1 =	rddreg [dreg:$0x1];
	p0 =	sne.s32 s2, $0x0  }
0xfc: {  	s3 =	rddreg [dreg:$0x2];
	[bflag:$0x3] =	sbarrier.arrive $0xFFFF;
	s2 =	simm.s32 @!p0 $0x1C05  }
0xfd: {  	[timem:s3], [sflag:s2] =	dma.local @!p0 [hbm:s0], s1  }
0xfe: {  	s0 =	simm.s32 @!p0 $0x5  }
0xff: {  	_ =	swait.ge @!p0 [sflag:s0], s1  }
0x100: {  	s1 =	ssub.s32 @!p0 $0x0, s1;
	[sflag:s0] =	ssyncset.done @!p0 $0x0  }
0x101: {  	[sflag:s0] =	ssyncadd.s32 @!p0 s1  }
0x102: {  	[bflag:$0x3] =	sbarrier.arrive $0xFFFF  }
0x103: {  	_ =	shalt  }

</sc_bundles>
